<compile_context>
chip_gen: v7x
topology: tpu7x:2x2x1
jax: 0.10.2.dev20260603
libtpu: 0.0.44.dev20260713+nightly
codegen_flags: <defaults>
</compile_context>

<pallas_src>
import functools

import jax
import jax.numpy as jnp
import numpy as np
from jax import lax
from jax.experimental import pallas as pl
from jax.experimental.pallas import tpu as pltpu
from jax.experimental.pallas import tpu_sc as plsc

N, E, F_IN, F_OUT, F_EDGE, HID, G = 10000, 160000, 128, 8, 16, 64, 64

NW = 32
CH = 128
EP = 163840
K = EP // (NW * CH)
EW = K * CH
MSG_W = 16
NP = 10240
ROWS_PER_TILE = NP // 16

TE_S = 16000
TE_M = 4000



def _stats_body(ea_ref, w1_ref, out_ref):
    i = pl.program_id(0)
    h = jnp.dot(ea_ref[...], w1_ref[...], preferred_element_type=jnp.float32)
    s1 = jnp.sum(h, axis=0, keepdims=True)
    s2 = jnp.sum(h * h, axis=0, keepdims=True)
    blk = jnp.concatenate([s1, s2], axis=0)

    @pl.when(i == 0)
    def _():
        out_ref[...] = jnp.zeros_like(out_ref)

    out_ref[...] += blk


_stats_call = pl.pallas_call(
    _stats_body,
    grid=(E // TE_S,),
    in_specs=[
        pl.BlockSpec((TE_S, F_EDGE), lambda i: (i, 0)),
        pl.BlockSpec((F_EDGE, HID), lambda i: (0, 0)),
    ],
    out_specs=pl.BlockSpec((2, HID), lambda i: (0, 0)),
    out_shape=jax.ShapeDtypeStruct((2, HID), jnp.float32),
)



NB = 4


def _gather_body(x_hbm, src_hbm, xj_hbm, idx_v, rows_v, sems):
    cid = lax.axis_index("c")
    sid = lax.axis_index("s")
    wid = sid * 2 + cid
    pltpu.sync_copy(src_hbm.at[wid], idx_v)
    base = wid * EW

    for b in range(NB):
        pltpu.async_copy(x_hbm.at[idx_v.at[b]], rows_v.at[b], sems.at[b])

    def group(g, carry):
        for b in range(NB):
            c = g * NB + b
            pltpu.make_async_copy(x_hbm.at[idx_v.at[c]], rows_v.at[b],
                                  sems.at[b]).wait()
            pltpu.sync_copy(rows_v.at[b], xj_hbm.at[pl.ds(base + c * CH, CH)])
            cn = c + NB

            @pl.when(cn < K)
            def _():
                pltpu.async_copy(x_hbm.at[idx_v.at[cn]], rows_v.at[b],
                                 sems.at[b])
        return carry

    lax.fori_loop(0, K // NB, group, 0)


def _make_gather():
    mesh = plsc.VectorSubcoreMesh(core_axis_name="c", subcore_axis_name="s")
    return pl.kernel(
        _gather_body,
        out_type=pltpu.HBM((EP, F_IN), jnp.float32),
        mesh=mesh,
        scratch_types=[
            pltpu.VMEM((K, CH), jnp.int32),
            pltpu.VMEM((NB, CH, F_IN), jnp.float32),
            pltpu.SemaphoreType.DMA((NB,)),
        ],
    )



def _msg_body(stats_ref, ea_ref, xj_ref, w1_ref, g_ref, b_ref, w2q_ref,
              b2m_ref, r_ref, out_ref):
    stats = stats_ref[...]
    mean = stats[0:1, :] * (1.0 / E)
    ex2 = stats[1:2, :] * (1.0 / E)
    var = ex2 - mean * mean
    inv = lax.rsqrt(var + 1e-5)
    scale = g_ref[...] * inv
    shift = b_ref[...] - mean * scale

    h0 = jnp.dot(ea_ref[...], w1_ref[...], preferred_element_type=jnp.float32)
    h = jnp.maximum(h0 * scale + shift, 0.0)

    xj = xj_ref[...].astype(jnp.bfloat16)
    u = jnp.dot(xj, w2q_ref[...], preferred_element_type=jnp.float32)
    h8 = jnp.concatenate([h] * F_OUT, axis=1)
    msg = jnp.dot(h8 * u, r_ref[...], preferred_element_type=jnp.float32)
    msg = msg + jnp.dot(xj, b2m_ref[...], preferred_element_type=jnp.float32)

    out_ref[...] = jnp.concatenate(
        [msg, jnp.zeros((TE_M, MSG_W - F_OUT), jnp.float32)], axis=1)


_msg_call = pl.pallas_call(
    _msg_body,
    grid=(E // TE_M,),
    in_specs=[
        pl.BlockSpec((2, HID), lambda i: (0, 0)),
        pl.BlockSpec((TE_M, F_EDGE), lambda i: (i, 0)),
        pl.BlockSpec((TE_M, F_IN), lambda i: (i, 0)),
        pl.BlockSpec((F_EDGE, HID), lambda i: (0, 0)),
        pl.BlockSpec((1, HID), lambda i: (0, 0)),
        pl.BlockSpec((1, HID), lambda i: (0, 0)),
        pl.BlockSpec((F_IN, F_OUT * HID), lambda i: (0, 0)),
        pl.BlockSpec((F_IN, F_OUT), lambda i: (0, 0)),
        pl.BlockSpec((F_OUT * HID, F_OUT), lambda i: (0, 0)),
    ],
    out_specs=pl.BlockSpec((TE_M, MSG_W), lambda i: (i, 0)),
    out_shape=jax.ShapeDtypeStruct((EP, MSG_W), jnp.float32),
)



NBS = 2


def _scatter_body(msg_hbm, dst_hbm, zero_hbm, out_hbm, idx_v, msg_v, shared,
                  sems):
    cid = lax.axis_index("c")
    sid = lax.axis_index("s")
    wid = sid * 2 + cid

    row0 = sid * ROWS_PER_TILE
    pltpu.sync_copy(zero_hbm.at[pl.ds(row0, ROWS_PER_TILE)],
                    shared.at[pl.ds(row0, ROWS_PER_TILE)])
    plsc.subcore_barrier()

    pltpu.sync_copy(dst_hbm.at[wid], idx_v)
    base = wid * EW

    for b in range(NBS):
        pltpu.async_copy(msg_hbm.at[pl.ds(base + b * CH, CH)], msg_v.at[b],
                         sems.at[b])

    def group(g, carry):
        for b in range(NBS):
            c = g * NBS + b
            pltpu.make_async_copy(msg_hbm.at[pl.ds(base + c * CH, CH)],
                                  msg_v.at[b], sems.at[b]).wait()

            @pl.when(base + c * CH < E)
            def _():
                pltpu.sync_copy(msg_v.at[b], shared.at[idx_v.at[c]], add=True)

            cn = c + NBS

            @pl.when(cn < K)
            def _():
                pltpu.async_copy(msg_hbm.at[pl.ds(base + cn * CH, CH)],
                                 msg_v.at[b], sems.at[b])
        return carry

    lax.fori_loop(0, K // NBS, group, 0)
    plsc.subcore_barrier()

    pltpu.sync_copy(shared.at[pl.ds(row0, ROWS_PER_TILE)],
                    out_hbm.at[cid, pl.ds(row0, ROWS_PER_TILE)])


def _make_scatter():
    mesh = plsc.VectorSubcoreMesh(core_axis_name="c", subcore_axis_name="s")
    return pl.kernel(
        _scatter_body,
        out_type=pltpu.HBM((2, NP, MSG_W), jnp.float32),
        mesh=mesh,
        compiler_params=pltpu.CompilerParams(use_tc_tiling_on_sc=False),
        scratch_types=[
            pltpu.VMEM((K, CH), jnp.int32),
            pltpu.VMEM((NBS, CH, MSG_W), jnp.float32),
            pltpu.VMEM_SHARED((NP, MSG_W), jnp.float32),
            pltpu.SemaphoreType.DMA((NBS,)),
        ],
    )



def _final_body(part_ref, x_ref, rw_ref, bias_ref, batch_ref, out_ref):
    aggr = part_ref[0][:, 0:F_OUT] + part_ref[1][:, 0:F_OUT]
    out = aggr + jnp.dot(x_ref[...], rw_ref[...],
                         preferred_element_type=jnp.float32) + bias_ref[...]
    b = batch_ref[...]
    p = (lax.broadcasted_iota(jnp.int32, (G, NP), 0) == b).astype(jnp.float32)
    sums = jnp.dot(p, out, preferred_element_type=jnp.float32)
    counts = jnp.sum(p, axis=1, keepdims=True)
    out_ref[...] = sums / jnp.maximum(counts, 1.0)


_final_call = pl.pallas_call(
    _final_body,
    out_shape=jax.ShapeDtypeStruct((G, F_OUT), jnp.float32),
)


@jax.jit
def kernel(x, adj_t, edge_attr, batch, W1, b1, bn_gamma, bn_beta, W2, b2,
           root_W, bias):
    src = adj_t[0]
    dst = adj_t[1]
    pad = EP - E
    src_p = jnp.pad(src, (0, pad)).reshape(NW, K, CH)
    dst_p = jnp.pad(dst, (0, pad)).reshape(NW, K, CH)

    w2q = W2.reshape(HID, F_IN, F_OUT).transpose(1, 2, 0).reshape(F_IN, F_OUT * HID)
    b2m = b2.reshape(F_IN, F_OUT)
    r_sel = jnp.asarray(np.kron(np.eye(F_OUT, dtype=np.float32),
                                np.ones((HID, 1), dtype=np.float32)))

    stats = _stats_call(edge_attr, W1)
    xj = _make_gather()(x, src_p)
    msg = _msg_call(stats, edge_attr, xj, W1, bn_gamma.reshape(1, HID),
                    bn_beta.reshape(1, HID), w2q.astype(jnp.bfloat16),
                    b2m.astype(jnp.bfloat16), r_sel)
    parts = _make_scatter()(msg, dst_p, jnp.zeros((NP, MSG_W), jnp.float32))
    x_p = jnp.pad(x, ((0, NP - N), (0, 0)))
    batch_p = jnp.pad(batch, (0, NP - N), constant_values=G)
    return _final_call(parts, x_p, root_W, bias.reshape(1, F_OUT),
                       batch_p.reshape(1, NP))

# --- scband reference (transcript-rebuilt; emitter-appended) ---
"""Pipeline reference for scband-nnconv-embedder-43439299231747 (READ-ONLY COPY).

The authoritative reference and input builder live on the scoring server;
editing this copy changes nothing except your own understanding.
"""

import jax, jax.numpy as jnp
import numpy as np

N, E, F_IN, F_OUT, F_EDGE, HID, G = 10000, 160000, 128, 8, 16, 64, 64

def setup_inputs(seed: int = 0) -> dict:
    key = jax.random.key(seed)
    ks = jax.random.split(key, 10)
    x = jax.random.normal(ks[0], (N, F_IN), dtype=jnp.float32)
    adj_t = jax.random.randint(ks[1], (2, E), 0, N, dtype=jnp.int32)
    edge_attr = jax.random.normal(ks[2], (E, F_EDGE), dtype=jnp.float32)
    batch = jnp.sort(jax.random.randint(ks[3], (N,), 0, G, dtype=jnp.int32))
    # edge-network params: Lin(F_EDGE, HID) -> BatchNorm1d(HID) -> ReLU -> Lin(HID, F_IN*F_OUT)
    W1 = jax.random.normal(ks[4], (F_EDGE, HID), dtype=jnp.float32) * (1.0 / np.sqrt(F_EDGE))
    b1 = jnp.zeros((HID,), dtype=jnp.float32)
    bn_gamma = jnp.ones((HID,), dtype=jnp.float32)
    bn_beta = jnp.zeros((HID,), dtype=jnp.float32)
    W2 = jax.random.normal(ks[5], (HID, F_IN * F_OUT), dtype=jnp.float32) * (1.0 / np.sqrt(HID))
    b2 = jnp.zeros((F_IN * F_OUT,), dtype=jnp.float32)
    # NNConv root linear (no bias in PyG root lin) + conv bias
    root_W = jax.random.normal(ks[6], (F_IN, F_OUT), dtype=jnp.float32) * (1.0 / np.sqrt(F_IN))
    bias = jnp.zeros((F_OUT,), dtype=jnp.float32)
    return {"x": x, "adj_t": adj_t, "edge_attr": edge_attr, "batch": batch,
            "W1": W1, "b1": b1, "bn_gamma": bn_gamma, "bn_beta": bn_beta,
            "W2": W2, "b2": b2, "root_W": root_W, "bias": bias}

def reference(x, adj_t, edge_attr, batch, W1, b1, bn_gamma, bn_beta, W2, b2, root_W, bias):
    # edge network: Lin -> BatchNorm1d (training-mode batch stats) -> ReLU -> Lin
    h = edge_attr @ W1 + b1
    mean = jnp.mean(h, axis=0)
    var = jnp.var(h, axis=0)
    h = (h - mean) / jnp.sqrt(var + 1e-5) * bn_gamma + bn_beta
    h = jax.nn.relu(h)
    W_edge = (h @ W2 + b2).reshape(E, F_IN, F_OUT)  # per-edge weight matrices
    src = adj_t[0]
    dst = adj_t[1]
    x_j = jnp.take(x, src, axis=0)                      # gather source features
    msg = jnp.einsum('ef,efo->eo', x_j, W_edge)         # per-edge message
    aggr = jax.ops.segment_sum(msg, dst, num_segments=N)  # scatter-add (aggr='add')
    out = aggr + x @ root_W + bias                      # root weight + bias
    # global_mean_pool over batch assignment
    sums = jax.ops.segment_sum(out, batch, num_segments=G)
    counts = jax.ops.segment_sum(jnp.ones((N, 1), dtype=jnp.float32), batch, num_segments=G)
    return sums / jnp.maximum(counts, 1.0)

if __name__ == "__main__":
    import jax
    _d = setup_inputs()
    print(jax.jit(kernel)(*tuple(_d.values())))

</pallas_src>

<mosaic_0001>
#map = affine_map<(d0, d1) -> (0, 0)>
#map1 = affine_map<(d0, d1) -> (0, 0, 0)>
module attributes {stable_mosaic.version = 14 : i64} {
  func.func @_gather_body(%arg0: i32, %arg1: i32, %arg2: memref<10000x128xf32, #tpu.memory_space<hbm>>, %arg3: memref<32x40x128xi32, #tpu.memory_space<hbm>>, %arg4: memref<163840x128xf32, #tpu.memory_space<hbm>>, %arg5: memref<40x128xi32, #tpu.memory_space<vmem>>, %arg6: memref<4x128x128xf32, #tpu.memory_space<vmem>>, %arg7: memref<4x!tpu.dma_semaphore, #tpu.memory_space<semaphore_mem>>) attributes {dimension_semantics = [#tpu.dimension_semantics<core_parallel>, #tpu.dimension_semantics<subcore_parallel>], iteration_bounds = array<i64: 2, 16>, scalar_prefetch = 0 : i64, scratch_operands = 3 : i64, tpu.core_type = #tpu.core_type<sc_vector_subcore>, window_params = [{transform_indices = #map}, {transform_indices = #map1}, {transform_indices = #map}]} {
    %mul3A = arith.constant 2 : i32
    %mul3A_0 = arith.muli %arg1, %mul3A : i32
    %add3A = arith.addi %mul3A_0, %arg0 : i32
    "tpu.region"() ({
      %run_scoped3A = tpu.sem_alloc : memref<!tpu.dma_semaphore, #tpu.memory_space<semaphore_mem>>
      %dma_start3A_67 = arith.constant 0 : i32
      %dma_start3A_68 = arith.constant 0 : i32
      %dma_start3A_69 = tpu.memref_slice %arg3[%add3A, %dma_start3A_67, %dma_start3A_68] : memref<32x40x128xi32, #tpu.memory_space<hbm>> -> memref<1x40x128xi32, #tpu.memory_space<hbm>>
      %dma_start3A_70 = tpu.memref_squeeze %dma_start3A_69 : memref<1x40x128xi32, #tpu.memory_space<hbm>> -> memref<40x128xi32, #tpu.memory_space<hbm>>
      %dma_start3A_71 = arith.constant 0 : i32
      %dma_start3A_72 = arith.constant 0 : i32
      %dma_start3A_73 = tpu.memref_slice %arg3[%add3A, %dma_start3A_71, %dma_start3A_72] : memref<32x40x128xi32, #tpu.memory_space<hbm>> -> memref<1x40x128xi32, #tpu.memory_space<hbm>>
      %dma_start3A_74 = tpu.memref_squeeze %dma_start3A_73 : memref<1x40x128xi32, #tpu.memory_space<hbm>> -> memref<40x128xi32, #tpu.memory_space<hbm>>
      tpu.enqueue_dma source(%dma_start3A_74 : memref<40x128xi32, #tpu.memory_space<hbm>>) target(%arg5 : memref<40x128xi32, #tpu.memory_space<vmem>>) target_semaphore(%run_scoped3A : memref<!tpu.dma_semaphore, #tpu.memory_space<semaphore_mem>>)
      %dma_wait3A = arith.constant 0 : i32
      %dma_wait3A_75 = arith.constant 0 : i32
      %dma_wait3A_76 = tpu.memref_slice %arg3[%add3A, %dma_wait3A, %dma_wait3A_75] : memref<32x40x128xi32, #tpu.memory_space<hbm>> -> memref<1x40x128xi32, #tpu.memory_space<hbm>>
      %dma_wait3A_77 = tpu.memref_squeeze %dma_wait3A_76 : memref<1x40x128xi32, #tpu.memory_space<hbm>> -> memref<40x128xi32, #tpu.memory_space<hbm>>
      %dma_wait3A_78 = arith.constant 0 : i32
      %dma_wait3A_79 = arith.constant 0 : i32
      %dma_wait3A_80 = tpu.memref_slice %arg3[%add3A, %dma_wait3A_78, %dma_wait3A_79] : memref<32x40x128xi32, #tpu.memory_space<hbm>> -> memref<1x40x128xi32, #tpu.memory_space<hbm>>
      %dma_wait3A_81 = tpu.memref_squeeze %dma_wait3A_80 : memref<1x40x128xi32, #tpu.memory_space<hbm>> -> memref<40x128xi32, #tpu.memory_space<hbm>>
      tpu.wait_dma2 semaphore(%run_scoped3A : memref<!tpu.dma_semaphore, #tpu.memory_space<semaphore_mem>>) src(%dma_wait3A_81 : memref<40x128xi32, #tpu.memory_space<hbm>>) dst(%arg5 : memref<40x128xi32, #tpu.memory_space<vmem>>)
      tpu.yield
    }) : () -> ()
    %mul3A_1 = arith.constant 5120 : i32
    %mul3A_2 = arith.muli %add3A, %mul3A_1 : i32
    %dma_start3A = arith.constant 0 : i32
    %dma_start3A_3 = arith.constant 0 : i32
    %dma_start3A_4 = arith.constant 0 : i32
    %dma_start3A_5 = arith.constant 0 : i32
    %dma_start3A_6 = arith.constant 0 : i32
    %dma_start3A_7 = tpu.memref_slice %arg6[%dma_start3A_3, %dma_start3A_5, %dma_start3A_6] : memref<4x128x128xf32, #tpu.memory_space<vmem>> -> memref<1x128x128xf32, #tpu.memory_space<vmem>>
    %dma_start3A_8 = tpu.memref_squeeze %dma_start3A_7 : memref<1x128x128xf32, #tpu.memory_space<vmem>> -> memref<128x128xf32, #tpu.memory_space<vmem>>
    %dma_start3A_9 = arith.constant 0 : i32
    %dma_start3A_10 = tpu.memref_slice %arg5[%dma_start3A, %dma_start3A_9] : memref<40x128xi32, #tpu.memory_space<vmem>> -> memref<1x128xi32, #tpu.memory_space<vmem>>
    %dma_start3A_11 = tpu.memref_squeeze %dma_start3A_10 : memref<1x128xi32, #tpu.memory_space<vmem>> -> memref<128xi32, #tpu.memory_space<vmem>>
    %dma_start3A_12 = arith.constant 0 : i32
    %dma_start3A_13 = arith.constant 0 : i32
    %dma_start3A_14 = tpu.memref_slice %arg2[%dma_start3A_12, %dma_start3A_13] : memref<10000x128xf32, #tpu.memory_space<hbm>> -> memref<10000x128xf32, #tpu.memory_space<hbm>>
    %dma_start3A_15 = tpu.memref_slice %arg7[%dma_start3A_4] : memref<4x!tpu.dma_semaphore, #tpu.memory_space<semaphore_mem>> -> memref<1x!tpu.dma_semaphore, #tpu.memory_space<semaphore_mem>>
    %dma_start3A_16 = tpu.memref_squeeze %dma_start3A_15 : memref<1x!tpu.dma_semaphore, #tpu.memory_space<semaphore_mem>> -> memref<!tpu.dma_semaphore, #tpu.memory_space<semaphore_mem>>
    tpu.enqueue_indirect_dma source(%dma_start3A_14 : memref<10000x128xf32, #tpu.memory_space<hbm>>) target(%dma_start3A_8 : memref<128x128xf32, #tpu.memory_space<vmem>>) offsets(%dma_start3A_11 : memref<128xi32, #tpu.memory_space<vmem>>) semaphore(%dma_start3A_16 : memref<!tpu.dma_semaphore, #tpu.memory_space<semaphore_mem>>)
    %dma_start3A_17 = arith.constant 1 : i32
    %dma_start3A_18 = arith.constant 1 : i32
    %dma_start3A_19 = arith.constant 1 : i32
    %dma_start3A_20 = arith.constant 0 : i32
    %dma_start3A_21 = arith.constant 0 : i32
    %dma_start3A_22 = tpu.memref_slice %arg6[%dma_start3A_18, %dma_start3A_20, %dma_start3A_21] : memref<4x128x128xf32, #tpu.memory_space<vmem>> -> memref<1x128x128xf32, #tpu.memory_space<vmem>>
    %dma_start3A_23 = tpu.memref_squeeze %dma_start3A_22 : memref<1x128x128xf32, #tpu.memory_space<vmem>> -> memref<128x128xf32, #tpu.memory_space<vmem>>
    %dma_start3A_24 = arith.constant 0 : i32
    %dma_start3A_25 = tpu.memref_slice %arg5[%dma_start3A_17, %dma_start3A_24] : memref<40x128xi32, #tpu.memory_space<vmem>> -> memref<1x128xi32, #tpu.memory_space<vmem>>
    %dma_start3A_26 = tpu.memref_squeeze %dma_start3A_25 : memref<1x128xi32, #tpu.memory_space<vmem>> -> memref<128xi32, #tpu.memory_space<vmem>>
    %dma_start3A_27 = arith.constant 0 : i32
    %dma_start3A_28 = arith.constant 0 : i32
    %dma_start3A_29 = tpu.memref_slice %arg2[%dma_start3A_27, %dma_start3A_28] : memref<10000x128xf32, #tpu.memory_space<hbm>> -> memref<10000x128xf32, #tpu.memory_space<hbm>>
    %dma_start3A_30 = tpu.memref_slice %arg7[%dma_start3A_19] : memref<4x!tpu.dma_semaphore, #tpu.memory_space<semaphore_mem>> -> memref<1x!tpu.dma_semaphore, #tpu.memory_space<semaphore_mem>>
    %dma_start3A_31 = tpu.memref_squeeze %dma_start3A_30 : memref<1x!tpu.dma_semaphore, #tpu.memory_space<semaphore_mem>> -> memref<!tpu.dma_semaphore, #tpu.memory_space<semaphore_mem>>
    tpu.enqueue_indirect_dma source(%dma_start3A_29 : memref<10000x128xf32, #tpu.memory_space<hbm>>) target(%dma_start3A_23 : memref<128x128xf32, #tpu.memory_space<vmem>>) offsets(%dma_start3A_26 : memref<128xi32, #tpu.memory_space<vmem>>) semaphore(%dma_start3A_31 : memref<!tpu.dma_semaphore, #tpu.memory_space<semaphore_mem>>)
    %dma_start3A_32 = arith.constant 2 : i32
    %dma_start3A_33 = arith.constant 2 : i32
    %dma_start3A_34 = arith.constant 2 : i32
    %dma_start3A_35 = arith.constant 0 : i32
    %dma_start3A_36 = arith.constant 0 : i32
    %dma_start3A_37 = tpu.memref_slice %arg6[%dma_start3A_33, %dma_start3A_35, %dma_start3A_36] : memref<4x128x128xf32, #tpu.memory_space<vmem>> -> memref<1x128x128xf32, #tpu.memory_space<vmem>>
    %dma_start3A_38 = tpu.memref_squeeze %dma_start3A_37 : memref<1x128x128xf32, #tpu.memory_space<vmem>> -> memref<128x128xf32, #tpu.memory_space<vmem>>
    %dma_start3A_39 = arith.constant 0 : i32
    %dma_start3A_40 = tpu.memref_slice %arg5[%dma_start3A_32, %dma_start3A_39] : memref<40x128xi32, #tpu.memory_space<vmem>> -> memref<1x128xi32, #tpu.memory_space<vmem>>
    %dma_start3A_41 = tpu.memref_squeeze %dma_start3A_40 : memref<1x128xi32, #tpu.memory_space<vmem>> -> memref<128xi32, #tpu.memory_space<vmem>>
    %dma_start3A_42 = arith.constant 0 : i32
    %dma_start3A_43 = arith.constant 0 : i32
    %dma_start3A_44 = tpu.memref_slice %arg2[%dma_start3A_42, %dma_start3A_43] : memref<10000x128xf32, #tpu.memory_space<hbm>> -> memref<10000x128xf32, #tpu.memory_space<hbm>>
    %dma_start3A_45 = tpu.memref_slice %arg7[%dma_start3A_34] : memref<4x!tpu.dma_semaphore, #tpu.memory_space<semaphore_mem>> -> memref<1x!tpu.dma_semaphore, #tpu.memory_space<semaphore_mem>>
    %dma_start3A_46 = tpu.memref_squeeze %dma_start3A_45 : memref<1x!tpu.dma_semaphore, #tpu.memory_space<semaphore_mem>> -> memref<!tpu.dma_semaphore, #tpu.memory_space<semaphore_mem>>
    tpu.enqueue_indirect_dma source(%dma_start3A_44 : memref<10000x128xf32, #tpu.memory_space<hbm>>) target(%dma_start3A_38 : memref<128x128xf32, #tpu.memory_space<vmem>>) offsets(%dma_start3A_41 : memref<128xi32, #tpu.memory_space<vmem>>) semaphore(%dma_start3A_46 : memref<!tpu.dma_semaphore, #tpu.memory_space<semaphore_mem>>)
    %dma_start3A_47 = arith.constant 3 : i32
    %dma_start3A_48 = arith.constant 3 : i32
    %dma_start3A_49 = arith.constant 3 : i32
    %dma_start3A_50 = arith.constant 0 : i32
    %dma_start3A_51 = arith.constant 0 : i32
    %dma_start3A_52 = tpu.memref_slice %arg6[%dma_start3A_48, %dma_start3A_50, %dma_start3A_51] : memref<4x128x128xf32, #tpu.memory_space<vmem>> -> memref<1x128x128xf32, #tpu.memory_space<vmem>>
    %dma_start3A_53 = tpu.memref_squeeze %dma_start3A_52 : memref<1x128x128xf32, #tpu.memory_space<vmem>> -> memref<128x128xf32, #tpu.memory_space<vmem>>
    %dma_start3A_54 = arith.constant 0 : i32
    %dma_start3A_55 = tpu.memref_slice %arg5[%dma_start3A_47, %dma_start3A_54] : memref<40x128xi32, #tpu.memory_space<vmem>> -> memref<1x128xi32, #tpu.memory_space<vmem>>
    %dma_start3A_56 = tpu.memref_squeeze %dma_start3A_55 : memref<1x128xi32, #tpu.memory_space<vmem>> -> memref<128xi32, #tpu.memory_space<vmem>>
    %dma_start3A_57 = arith.constant 0 : i32
    %dma_start3A_58 = arith.constant 0 : i32
    %dma_start3A_59 = tpu.memref_slice %arg2[%dma_start3A_57, %dma_start3A_58] : memref<10000x128xf32, #tpu.memory_space<hbm>> -> memref<10000x128xf32, #tpu.memory_space<hbm>>
    %dma_start3A_60 = tpu.memref_slice %arg7[%dma_start3A_49] : memref<4x!tpu.dma_semaphore, #tpu.memory_space<semaphore_mem>> -> memref<1x!tpu.dma_semaphore, #tpu.memory_space<semaphore_mem>>
    %dma_start3A_61 = tpu.memref_squeeze %dma_start3A_60 : memref<1x!tpu.dma_semaphore, #tpu.memory_space<semaphore_mem>> -> memref<!tpu.dma_semaphore, #tpu.memory_space<semaphore_mem>>
    tpu.enqueue_indirect_dma source(%dma_start3A_59 : memref<10000x128xf32, #tpu.memory_space<hbm>>) target(%dma_start3A_53 : memref<128x128xf32, #tpu.memory_space<vmem>>) offsets(%dma_start3A_56 : memref<128xi32, #tpu.memory_space<vmem>>) semaphore(%dma_start3A_61 : memref<!tpu.dma_semaphore, #tpu.memory_space<semaphore_mem>>)
    %scan3A = arith.constant 0 : i32
    %scan3A_62 = arith.constant 0 : i32
    %scan3A_63 = arith.constant 10 : i32
    %scan3A_64 = arith.addi %scan3A_62, %scan3A_63 : i32
    %scan3A_65 = arith.constant 1 : i32
    scf.for %scan3A_67 = %scan3A_62 to %scan3A_64 step %scan3A_65  : i32 {
      %mul3A_68 = arith.constant 4 : i32
      %mul3A_69 = arith.muli %scan3A_67, %mul3A_68 : i32
      %add3A_70 = arith.constant 0 : i32
      %add3A_71 = arith.addi %mul3A_69, %add3A_70 : i32
      %dma_wait3A = arith.constant 0 : i32
      %dma_wait3A_72 = arith.constant 0 : i32
      %dma_wait3A_73 = arith.constant 0 : i32
      %dma_wait3A_74 = arith.constant 0 : i32
      %dma_wait3A_75 = tpu.memref_slice %arg6[%dma_wait3A, %dma_wait3A_73, %dma_wait3A_74] : memref<4x128x128xf32, #tpu.memory_space<vmem>> -> memref<1x128x128xf32, #tpu.memory_space<vmem>>
      %dma_wait3A_76 = tpu.memref_squeeze %dma_wait3A_75 : memref<1x128x128xf32, #tpu.memory_space<vmem>> -> memref<128x128xf32, #tpu.memory_space<vmem>>
      %dma_wait3A_77 = arith.constant 0 : i32
      %dma_wait3A_78 = tpu.memref_slice %arg5[%add3A_71, %dma_wait3A_77] : memref<40x128xi32, #tpu.memory_space<vmem>> -> memref<1x128xi32, #tpu.memory_space<vmem>>
      %dma_wait3A_79 = tpu.memref_squeeze %dma_wait3A_78 : memref<1x128xi32, #tpu.memory_space<vmem>> -> memref<128xi32, #tpu.memory_space<vmem>>
      %dma_wait3A_80 = arith.constant 0 : i32
      %dma_wait3A_81 = arith.constant 0 : i32
      %dma_wait3A_82 = tpu.memref_slice %arg2[%dma_wait3A_80, %dma_wait3A_81] : memref<10000x128xf32, #tpu.memory_space<hbm>> -> memref<10000x128xf32, #tpu.memory_space<hbm>>
      %dma_wait3A_83 = tpu.memref_slice %arg7[%dma_wait3A_72] : memref<4x!tpu.dma_semaphore, #tpu.memory_space<semaphore_mem>> -> memref<1x!tpu.dma_semaphore, #tpu.memory_space<semaphore_mem>>
      %dma_wait3A_84 = tpu.memref_squeeze %dma_wait3A_83 : memref<1x!tpu.dma_semaphore, #tpu.memory_space<semaphore_mem>> -> memref<!tpu.dma_semaphore, #tpu.memory_space<semaphore_mem>>
      tpu.wait_indirect_dma semaphore(%dma_wait3A_84 : memref<!tpu.dma_semaphore, #tpu.memory_space<semaphore_mem>>) src(%dma_wait3A_82 : memref<10000x128xf32, #tpu.memory_space<hbm>>) dst(%dma_wait3A_76 : memref<128x128xf32, #tpu.memory_space<vmem>>)
      %mul3A_85 = arith.constant 128 : i32
      %mul3A_86 = arith.muli %add3A_71, %mul3A_85 : i32
      %add3A_87 = arith.addi %mul3A_2, %mul3A_86 : i32
      %run_scoped3A = arith.constant 0 : i32
      "tpu.region"() ({
        %run_scoped3A_179 = tpu.sem_alloc : memref<!tpu.dma_semaphore, #tpu.memory_space<semaphore_mem>>
        %dma_start3A_180 = arith.constant 0 : i32
        %dma_start3A_181 = arith.constant 0 : i32
        %dma_start3A_182 = tpu.memref_slice %arg6[%run_scoped3A, %dma_start3A_180, %dma_start3A_181] : memref<4x128x128xf32, #tpu.memory_space<vmem>> -> memref<1x128x128xf32, #tpu.memory_space<vmem>>
        %dma_start3A_183 = tpu.memref_squeeze %dma_start3A_182 : memref<1x128x128xf32, #tpu.memory_space<vmem>> -> memref<128x128xf32, #tpu.memory_space<vmem>>
        %dma_start3A_184 = arith.constant 0 : i32
        %dma_start3A_185 = tpu.memref_slice %arg4[%add3A_87, %dma_start3A_184] : memref<163840x128xf32, #tpu.memory_space<hbm>> -> memref<128x128xf32, #tpu.memory_space<hbm>>
        %dma_start3A_186 = arith.constant 0 : i32
        %dma_start3A_187 = tpu.memref_slice %arg4[%add3A_87, %dma_start3A_186] : memref<163840x128xf32, #tpu.memory_space<hbm>> -> memref<128x128xf32, #tpu.memory_space<hbm>>
        %dma_start3A_188 = arith.constant 0 : i32
        %dma_start3A_189 = arith.constant 0 : i32
        %dma_start3A_190 = tpu.memref_slice %arg6[%run_scoped3A, %dma_start3A_188, %dma_start3A_189] : memref<4x128x128xf32, #tpu.memory_space<vmem>> -> memref<1x128x128xf32, #tpu.memory_space<vmem>>
        %dma_start3A_191 = tpu.memref_squeeze %dma_start3A_190 : memref<1x128x128xf32, #tpu.memory_space<vmem>> -> memref<128x128xf32, #tpu.memory_space<vmem>>
        tpu.enqueue_dma source(%dma_start3A_191 : memref<128x128xf32, #tpu.memory_space<vmem>>) target(%dma_start3A_187 : memref<128x128xf32, #tpu.memory_space<hbm>>) target_semaphore(%run_scoped3A_179 : memref<!tpu.dma_semaphore, #tpu.memory_space<semaphore_mem>>)
        %dma_wait3A_192 = arith.constant 0 : i32
        %dma_wait3A_193 = arith.constant 0 : i32
        %dma_wait3A_194 = tpu.memref_slice %arg6[%run_scoped3A, %dma_wait3A_192, %dma_wait3A_193] : memref<4x128x128xf32, #tpu.memory_space<vmem>> -> memref<1x128x128xf32, #tpu.memory_space<vmem>>
        %dma_wait3A_195 = tpu.memref_squeeze %dma_wait3A_194 : memref<1x128x128xf32, #tpu.memory_space<vmem>> -> memref<128x128xf32, #tpu.memory_space<vmem>>
        %dma_wait3A_196 = arith.constant 0 : i32
        %dma_wait3A_197 = tpu.memref_slice %arg4[%add3A_87, %dma_wait3A_196] : memref<163840x128xf32, #tpu.memory_space<hbm>> -> memref<128x128xf32, #tpu.memory_space<hbm>>
        %dma_wait3A_198 = arith.constant 0 : i32
        %dma_wait3A_199 = tpu.memref_slice %arg4[%add3A_87, %dma_wait3A_198] : memref<163840x128xf32, #tpu.memory_space<hbm>> -> memref<128x128xf32, #tpu.memory_space<hbm>>
        %dma_wait3A_200 = arith.constant 0 : i32
        %dma_wait3A_201 = arith.constant 0 : i32
        %dma_wait3A_202 = tpu.memref_slice %arg6[%run_scoped3A, %dma_wait3A_200, %dma_wait3A_201] : memref<4x128x128xf32, #tpu.memory_space<vmem>> -> memref<1x128x128xf32, #tpu.memory_space<vmem>>
        %dma_wait3A_203 = tpu.memref_squeeze %dma_wait3A_202 : memref<1x128x128xf32, #tpu.memory_space<vmem>> -> memref<128x128xf32, #tpu.memory_space<vmem>>
        tpu.wait_dma2 semaphore(%run_scoped3A_179 : memref<!tpu.dma_semaphore, #tpu.memory_space<semaphore_mem>>) src(%dma_wait3A_203 : memref<128x128xf32, #tpu.memory_space<vmem>>) dst(%dma_wait3A_199 : memref<128x128xf32, #tpu.memory_space<hbm>>)
        tpu.yield
      }) : () -> ()
      %add3A_88 = arith.constant 4 : i32
      %add3A_89 = arith.addi %add3A_71, %add3A_88 : i32
      %lt3A = arith.constant 40 : i32
      %lt3A_90 = arith.cmpi slt, %add3A_89, %lt3A : i32
      %convert_element_type3A = arith.extui %lt3A_90 : i1 to i32
      %cond3A = arith.constant 0 : i32
      %cond3A_91 = arith.cmpi ne, %convert_element_type3A, %cond3A : i32
      scf.if %cond3A_91 {
        %dma_start3A_179 = arith.constant 0 : i32
        %dma_start3A_180 = arith.constant 0 : i32
        %dma_start3A_181 = arith.constant 0 : i32
        %dma_start3A_182 = arith.constant 0 : i32
        %dma_start3A_183 = tpu.memref_slice %arg6[%dma_start3A_179, %dma_start3A_181, %dma_start3A_182] : memref<4x128x128xf32, #tpu.memory_space<vmem>> -> memref<1x128x128xf32, #tpu.memory_space<vmem>>
        %dma_start3A_184 = tpu.memref_squeeze %dma_start3A_183 : memref<1x128x128xf32, #tpu.memory_space<vmem>> -> memref<128x128xf32, #tpu.memory_space<vmem>>
        %dma_start3A_185 = arith.constant 0 : i32
        %dma_start3A_186 = tpu.memref_slice %arg5[%add3A_89, %dma_start3A_185] : memref<40x128xi32, #tpu.memory_space<vmem>> -> memref<1x128xi32, #tpu.memory_space<vmem>>
        %dma_start3A_187 = tpu.memref_squeeze %dma_start3A_186 : memref<1x128xi32, #tpu.memory_space<vmem>> -> memref<128xi32, #tpu.memory_space<vmem>>
        %dma_start3A_188 = arith.constant 0 : i32
        %dma_start3A_189 = arith.constant 0 : i32
        %dma_start3A_190 = tpu.memref_slice %arg2[%dma_start3A_188, %dma_start3A_189] : memref<10000x128xf32, #tpu.memory_space<hbm>> -> memref<10000x128xf32, #tpu.memory_space<hbm>>
        %dma_start3A_191 = tpu.memref_slice %arg7[%dma_start3A_180] : memref<4x!tpu.dma_semaphore, #tpu.memory_space<semaphore_mem>> -> memref<1x!tpu.dma_semaphore, #tpu.memory_space<semaphore_mem>>
        %dma_start3A_192 = tpu.memref_squeeze %dma_start3A_191 : memref<1x!tpu.dma_semaphore, #tpu.memory_space<semaphore_mem>> -> memref<!tpu.dma_semaphore, #tpu.memory_space<semaphore_mem>>
        tpu.enqueue_indirect_dma source(%dma_start3A_190 : memref<10000x128xf32, #tpu.memory_space<hbm>>) target(%dma_start3A_184 : memref<128x128xf32, #tpu.memory_space<vmem>>) offsets(%dma_start3A_187 : memref<128xi32, #tpu.memory_space<vmem>>) semaphore(%dma_start3A_192 : memref<!tpu.dma_semaphore, #tpu.memory_space<semaphore_mem>>)
      } else {
      }
      %mul3A_92 = arith.constant 4 : i32
      %mul3A_93 = arith.muli %scan3A_67, %mul3A_92 : i32
      %add3A_94 = arith.constant 1 : i32
      %add3A_95 = arith.addi %mul3A_93, %add3A_94 : i32
      %dma_wait3A_96 = arith.constant 1 : i32
      %dma_wait3A_97 = arith.constant 1 : i32
      %dma_wait3A_98 = arith.constant 0 : i32
      %dma_wait3A_99 = arith.constant 0 : i32
      %dma_wait3A_100 = tpu.memref_slice %arg6[%dma_wait3A_96, %dma_wait3A_98, %dma_wait3A_99] : memref<4x128x128xf32, #tpu.memory_space<vmem>> -> memref<1x128x128xf32, #tpu.memory_space<vmem>>
      %dma_wait3A_101 = tpu.memref_squeeze %dma_wait3A_100 : memref<1x128x128xf32, #tpu.memory_space<vmem>> -> memref<128x128xf32, #tpu.memory_space<vmem>>
      %dma_wait3A_102 = arith.constant 0 : i32
      %dma_wait3A_103 = tpu.memref_slice %arg5[%add3A_95, %dma_wait3A_102] : memref<40x128xi32, #tpu.memory_space<vmem>> -> memref<1x128xi32, #tpu.memory_space<vmem>>
      %dma_wait3A_104 = tpu.memref_squeeze %dma_wait3A_103 : memref<1x128xi32, #tpu.memory_space<vmem>> -> memref<128xi32, #tpu.memory_space<vmem>>
      %dma_wait3A_105 = arith.constant 0 : i32
      %dma_wait3A_106 = arith.constant 0 : i32
      %dma_wait3A_107 = tpu.memref_slice %arg2[%dma_wait3A_105, %dma_wait3A_106] : memref<10000x128xf32, #tpu.memory_space<hbm>> -> memref<10000x128xf32, #tpu.memory_space<hbm>>
      %dma_wait3A_108 = tpu.memref_slice %arg7[%dma_wait3A_97] : memref<4x!tpu.dma_semaphore, #tpu.memory_space<semaphore_mem>> -> memref<1x!tpu.dma_semaphore, #tpu.memory_space<semaphore_mem>>
      %dma_wait3A_109 = tpu.memref_squeeze %dma_wait3A_108 : memref<1x!tpu.dma_semaphore, #tpu.memory_space<semaphore_mem>> -> memref<!tpu.dma_semaphore, #tpu.memory_space<semaphore_mem>>
      tpu.wait_indirect_dma semaphore(%dma_wait3A_109 : memref<!tpu.dma_semaphore, #tpu.memory_space<semaphore_mem>>) src(%dma_wait3A_107 : memref<10000x128xf32, #tpu.memory_space<hbm>>) dst(%dma_wait3A_101 : memref<128x128xf32, #tpu.memory_space<vmem>>)
      %mul3A_110 = arith.constant 128 : i32
      %mul3A_111 = arith.muli %add3A_95, %mul3A_110 : i32
      %add3A_112 = arith.addi %mul3A_2, %mul3A_111 : i32
      %run_scoped3A_113 = arith.constant 1 : i32
      "tpu.region"() ({
        %run_scoped3A_179 = tpu.sem_alloc : memref<!tpu.dma_semaphore, #tpu.memory_space<semaphore_mem>>
        %dma_start3A_180 = arith.constant 0 : i32
        %dma_start3A_181 = arith.constant 0 : i32
        %dma_start3A_182 = tpu.memref_slice %arg6[%run_scoped3A_113, %dma_start3A_180, %dma_start3A_181] : memref<4x128x128xf32, #tpu.memory_space<vmem>> -> memref<1x128x128xf32, #tpu.memory_space<vmem>>
        %dma_start3A_183 = tpu.memref_squeeze %dma_start3A_182 : memref<1x128x128xf32, #tpu.memory_space<vmem>> -> memref<128x128xf32, #tpu.memory_space<vmem>>
        %dma_start3A_184 = arith.constant 0 : i32
        %dma_start3A_185 = tpu.memref_slice %arg4[%add3A_112, %dma_start3A_184] : memref<163840x128xf32, #tpu.memory_space<hbm>> -> memref<128x128xf32, #tpu.memory_space<hbm>>
        %dma_start3A_186 = arith.constant 0 : i32
        %dma_start3A_187 = tpu.memref_slice %arg4[%add3A_112, %dma_start3A_186] : memref<163840x128xf32, #tpu.memory_space<hbm>> -> memref<128x128xf32, #tpu.memory_space<hbm>>
        %dma_start3A_188 = arith.constant 0 : i32
        %dma_start3A_189 = arith.constant 0 : i32
        %dma_start3A_190 = tpu.memref_slice %arg6[%run_scoped3A_113, %dma_start3A_188, %dma_start3A_189] : memref<4x128x128xf32, #tpu.memory_space<vmem>> -> memref<1x128x128xf32, #tpu.memory_space<vmem>>
        %dma_start3A_191 = tpu.memref_squeeze %dma_start3A_190 : memref<1x128x128xf32, #tpu.memory_space<vmem>> -> memref<128x128xf32, #tpu.memory_space<vmem>>
        tpu.enqueue_dma source(%dma_start3A_191 : memref<128x128xf32, #tpu.memory_space<vmem>>) target(%dma_start3A_187 : memref<128x128xf32, #tpu.memory_space<hbm>>) target_semaphore(%run_scoped3A_179 : memref<!tpu.dma_semaphore, #tpu.memory_space<semaphore_mem>>)
        %dma_wait3A_192 = arith.constant 0 : i32
        %dma_wait3A_193 = arith.constant 0 : i32
        %dma_wait3A_194 = tpu.memref_slice %arg6[%run_scoped3A_113, %dma_wait3A_192, %dma_wait3A_193] : memref<4x128x128xf32, #tpu.memory_space<vmem>> -> memref<1x128x128xf32, #tpu.memory_space<vmem>>
        %dma_wait3A_195 = tpu.memref_squeeze %dma_wait3A_194 : memref<1x128x128xf32, #tpu.memory_space<vmem>> -> memref<128x128xf32, #tpu.memory_space<vmem>>
        %dma_wait3A_196 = arith.constant 0 : i32
        %dma_wait3A_197 = tpu.memref_slice %arg4[%add3A_112, %dma_wait3A_196] : memref<163840x128xf32, #tpu.memory_space<hbm>> -> memref<128x128xf32, #tpu.memory_space<hbm>>
        %dma_wait3A_198 = arith.constant 0 : i32
        %dma_wait3A_199 = tpu.memref_slice %arg4[%add3A_112, %dma_wait3A_198] : memref<163840x128xf32, #tpu.memory_space<hbm>> -> memref<128x128xf32, #tpu.memory_space<hbm>>
        %dma_wait3A_200 = arith.constant 0 : i32
        %dma_wait3A_201 = arith.constant 0 : i32
        %dma_wait3A_202 = tpu.memref_slice %arg6[%run_scoped3A_113, %dma_wait3A_200, %dma_wait3A_201] : memref<4x128x128xf32, #tpu.memory_space<vmem>> -> memref<1x128x128xf32, #tpu.memory_space<vmem>>
        %dma_wait3A_203 = tpu.memref_squeeze %dma_wait3A_202 : memref<1x128x128xf32, #tpu.memory_space<vmem>> -> memref<128x128xf32, #tpu.memory_space<vmem>>
        tpu.wait_dma2 semaphore(%run_scoped3A_179 : memref<!tpu.dma_semaphore, #tpu.memory_space<semaphore_mem>>) src(%dma_wait3A_203 : memref<128x128xf32, #tpu.memory_space<vmem>>) dst(%dma_wait3A_199 : memref<128x128xf32, #tpu.memory_space<hbm>>)
        tpu.yield
      }) : () -> ()
      %add3A_114 = arith.constant 4 : i32
      %add3A_115 = arith.addi %add3A_95, %add3A_114 : i32
      %lt3A_116 = arith.constant 40 : i32
      %lt3A_117 = arith.cmpi slt, %add3A_115, %lt3A_116 : i32
      %convert_element_type3A_118 = arith.extui %lt3A_117 : i1 to i32
      %cond3A_119 = arith.constant 0 : i32
      %cond3A_120 = arith.cmpi ne, %convert_element_type3A_118, %cond3A_119 : i32
      scf.if %cond3A_120 {
        %dma_start3A_179 = arith.constant 1 : i32
        %dma_start3A_180 = arith.constant 1 : i32
        %dma_start3A_181 = arith.constant 0 : i32
        %dma_start3A_182 = arith.constant 0 : i32
        %dma_start3A_183 = tpu.memref_slice %arg6[%dma_start3A_179, %dma_start3A_181, %dma_start3A_182] : memref<4x128x128xf32, #tpu.memory_space<vmem>> -> memref<1x128x128xf32, #tpu.memory_space<vmem>>
        %dma_start3A_184 = tpu.memref_squeeze %dma_start3A_183 : memref<1x128x128xf32, #tpu.memory_space<vmem>> -> memref<128x128xf32, #tpu.memory_space<vmem>>
        %dma_start3A_185 = arith.constant 0 : i32
        %dma_start3A_186 = tpu.memref_slice %arg5[%add3A_115, %dma_start3A_185] : memref<40x128xi32, #tpu.memory_space<vmem>> -> memref<1x128xi32, #tpu.memory_space<vmem>>
        %dma_start3A_187 = tpu.memref_squeeze %dma_start3A_186 : memref<1x128xi32, #tpu.memory_space<vmem>> -> memref<128xi32, #tpu.memory_space<vmem>>
        %dma_start3A_188 = arith.constant 0 : i32
        %dma_start3A_189 = arith.constant 0 : i32
        %dma_start3A_190 = tpu.memref_slice %arg2[%dma_start3A_188, %dma_start3A_189] : memref<10000x128xf32, #tpu.memory_space<hbm>> -> memref<10000x128xf32, #tpu.memory_space<hbm>>
        %dma_start3A_191 = tpu.memref_slice %arg7[%dma_start3A_180] : memref<4x!tpu.dma_semaphore, #tpu.memory_space<semaphore_mem>> -> memref<1x!tpu.dma_semaphore, #tpu.memory_space<semaphore_mem>>
        %dma_start3A_192 = tpu.memref_squeeze %dma_start3A_191 : memref<1x!tpu.dma_semaphore, #tpu.memory_space<semaphore_mem>> -> memref<!tpu.dma_semaphore, #tpu.memory_space<semaphore_mem>>
        tpu.enqueue_indirect_dma source(%dma_start3A_190 : memref<10000x128xf32, #tpu.memory_space<hbm>>) target(%dma_start3A_184 : memref<128x128xf32, #tpu.memory_space<vmem>>) offsets(%dma_start3A_187 : memref<128xi32, #tpu.memory_space<vmem>>) semaphore(%dma_start3A_192 : memref<!tpu.dma_semaphore, #tpu.memory_space<semaphore_mem>>)
      } else {
      }
      %mul3A_121 = arith.constant 4 : i32
      %mul3A_122 = arith.muli %scan3A_67, %mul3A_121 : i32
      %add3A_123 = arith.constant 2 : i32
      %add3A_124 = arith.addi %mul3A_122, %add3A_123 : i32
      %dma_wait3A_125 = arith.constant 2 : i32
      %dma_wait3A_126 = arith.constant 2 : i32
      %dma_wait3A_127 = arith.constant 0 : i32
      %dma_wait3A_128 = arith.constant 0 : i32
      %dma_wait3A_129 = tpu.memref_slice %arg6[%dma_wait3A_125, %dma_wait3A_127, %dma_wait3A_128] : memref<4x128x128xf32, #tpu.memory_space<vmem>> -> memref<1x128x128xf32, #tpu.memory_space<vmem>>
      %dma_wait3A_130 = tpu.memref_squeeze %dma_wait3A_129 : memref<1x128x128xf32, #tpu.memory_space<vmem>> -> memref<128x128xf32, #tpu.memory_space<vmem>>
      %dma_wait3A_131 = arith.constant 0 : i32
      %dma_wait3A_132 = tpu.memref_slice %arg5[%add3A_124, %dma_wait3A_131] : memref<40x128xi32, #tpu.memory_space<vmem>> -> memref<1x128xi32, #tpu.memory_space<vmem>>
      %dma_wait3A_133 = tpu.memref_squeeze %dma_wait3A_132 : memref<1x128xi32, #tpu.memory_space<vmem>> -> memref<128xi32, #tpu.memory_space<vmem>>
      %dma_wait3A_134 = arith.constant 0 : i32
      %dma_wait3A_135 = arith.constant 0 : i32
      %dma_wait3A_136 = tpu.memref_slice %arg2[%dma_wait3A_134, %dma_wait3A_135] : memref<10000x128xf32, #tpu.memory_space<hbm>> -> memref<10000x128xf32, #tpu.memory_space<hbm>>
      %dma_wait3A_137 = tpu.memref_slice %arg7[%dma_wait3A_126] : memref<4x!tpu.dma_semaphore, #tpu.memory_space<semaphore_mem>> -> memref<1x!tpu.dma_semaphore, #tpu.memory_space<semaphore_mem>>
      %dma_wait3A_138 = tpu.memref_squeeze %dma_wait3A_137 : memref<1x!tpu.dma_semaphore, #tpu.memory_space<semaphore_mem>> -> memref<!tpu.dma_semaphore, #tpu.memory_space<semaphore_mem>>
      tpu.wait_indirect_dma semaphore(%dma_wait3A_138 : memref<!tpu.dma_semaphore, #tpu.memory_space<semaphore_mem>>) src(%dma_wait3A_136 : memref<10000x128xf32, #tpu.memory_space<hbm>>) dst(%dma_wait3A_130 : memref<128x128xf32, #tpu.memory_space<vmem>>)
      %mul3A_139 = arith.constant 128 : i32
      %mul3A_140 = arith.muli %add3A_124, %mul3A_139 : i32
      %add3A_141 = arith.addi %mul3A_2, %mul3A_140 : i32
      %run_scoped3A_142 = arith.constant 2 : i32
      "tpu.region"() ({
        %run_scoped3A_179 = tpu.sem_alloc : memref<!tpu.dma_semaphore, #tpu.memory_space<semaphore_mem>>
        %dma_start3A_180 = arith.constant 0 : i32
        %dma_start3A_181 = arith.constant 0 : i32
        %dma_start3A_182 = tpu.memref_slice %arg6[%run_scoped3A_142, %dma_start3A_180, %dma_start3A_181] : memref<4x128x128xf32, #tpu.memory_space<vmem>> -> memref<1x128x128xf32, #tpu.memory_space<vmem>>
        %dma_start3A_183 = tpu.memref_squeeze %dma_start3A_182 : memref<1x128x128xf32, #tpu.memory_space<vmem>> -> memref<128x128xf32, #tpu.memory_space<vmem>>
        %dma_start3A_184 = arith.constant 0 : i32
        %dma_start3A_185 = tpu.memref_slice %arg4[%add3A_141, %dma_start3A_184] : memref<163840x128xf32, #tpu.memory_space<hbm>> -> memref<128x128xf32, #tpu.memory_space<hbm>>
        %dma_start3A_186 = arith.constant 0 : i32
        %dma_start3A_187 = tpu.memref_slice %arg4[%add3A_141, %dma_start3A_186] : memref<163840x128xf32, #tpu.memory_space<hbm>> -> memref<128x128xf32, #tpu.memory_space<hbm>>
        %dma_start3A_188 = arith.constant 0 : i32
        %dma_start3A_189 = arith.constant 0 : i32
        %dma_start3A_190 = tpu.memref_slice %arg6[%run_scoped3A_142, %dma_start3A_188, %dma_start3A_189] : memref<4x128x128xf32, #tpu.memory_space<vmem>> -> memref<1x128x128xf32, #tpu.memory_space<vmem>>
        %dma_start3A_191 = tpu.memref_squeeze %dma_start3A_190 : memref<1x128x128xf32, #tpu.memory_space<vmem>> -> memref<128x128xf32, #tpu.memory_space<vmem>>
        tpu.enqueue_dma source(%dma_start3A_191 : memref<128x128xf32, #tpu.memory_space<vmem>>) target(%dma_start3A_187 : memref<128x128xf32, #tpu.memory_space<hbm>>) target_semaphore(%run_scoped3A_179 : memref<!tpu.dma_semaphore, #tpu.memory_space<semaphore_mem>>)
        %dma_wait3A_192 = arith.constant 0 : i32
        %dma_wait3A_193 = arith.constant 0 : i32
        %dma_wait3A_194 = tpu.memref_slice %arg6[%run_scoped3A_142, %dma_wait3A_192, %dma_wait3A_193] : memref<4x128x128xf32, #tpu.memory_space<vmem>> -> memref<1x128x128xf32, #tpu.memory_space<vmem>>
        %dma_wait3A_195 = tpu.memref_squeeze %dma_wait3A_194 : memref<1x128x128xf32, #tpu.memory_space<vmem>> -> memref<128x128xf32, #tpu.memory_space<vmem>>
        %dma_wait3A_196 = arith.constant 0 : i32
        %dma_wait3A_197 = tpu.memref_slice %arg4[%add3A_141, %dma_wait3A_196] : memref<163840x128xf32, #tpu.memory_space<hbm>> -> memref<128x128xf32, #tpu.memory_space<hbm>>
        %dma_wait3A_198 = arith.constant 0 : i32
        %dma_wait3A_199 = tpu.memref_slice %arg4[%add3A_141, %dma_wait3A_198] : memref<163840x128xf32, #tpu.memory_space<hbm>> -> memref<128x128xf32, #tpu.memory_space<hbm>>
        %dma_wait3A_200 = arith.constant 0 : i32
        %dma_wait3A_201 = arith.constant 0 : i32
        %dma_wait3A_202 = tpu.memref_slice %arg6[%run_scoped3A_142, %dma_wait3A_200, %dma_wait3A_201] : memref<4x128x128xf32, #tpu.memory_space<vmem>> -> memref<1x128x128xf32, #tpu.memory_space<vmem>>
        %dma_wait3A_203 = tpu.memref_squeeze %dma_wait3A_202 : memref<1x128x128xf32, #tpu.memory_space<vmem>> -> memref<128x128xf32, #tpu.memory_space<vmem>>
        tpu.wait_dma2 semaphore(%run_scoped3A_179 : memref<!tpu.dma_semaphore, #tpu.memory_space<semaphore_mem>>) src(%dma_wait3A_203 : memref<128x128xf32, #tpu.memory_space<vmem>>) dst(%dma_wait3A_199 : memref<128x128xf32, #tpu.memory_space<hbm>>)
        tpu.yield
      }) : () -> ()
      %add3A_143 = arith.constant 4 : i32
      %add3A_144 = arith.addi %add3A_124, %add3A_143 : i32
      %lt3A_145 = arith.constant 40 : i32
      %lt3A_146 = arith.cmpi slt, %add3A_144, %lt3A_145 : i32
      %convert_element_type3A_147 = arith.extui %lt3A_146 : i1 to i32
      %cond3A_148 = arith.constant 0 : i32
      %cond3A_149 = arith.cmpi ne, %convert_element_type3A_147, %cond3A_148 : i32
      scf.if %cond3A_149 {
        %dma_start3A_179 = arith.constant 2 : i32
        %dma_start3A_180 = arith.constant 2 : i32
        %dma_start3A_181 = arith.constant 0 : i32
        %dma_start3A_182 = arith.constant 0 : i32
        %dma_start3A_183 = tpu.memref_slice %arg6[%dma_start3A_179, %dma_start3A_181, %dma_start3A_182] : memref<4x128x128xf32, #tpu.memory_space<vmem>> -> memref<1x128x128xf32, #tpu.memory_space<vmem>>
        %dma_start3A_184 = tpu.memref_squeeze %dma_start3A_183 : memref<1x128x128xf32, #tpu.memory_space<vmem>> -> memref<128x128xf32, #tpu.memory_space<vmem>>
        %dma_start3A_185 = arith.constant 0 : i32
        %dma_start3A_186 = tpu.memref_slice %arg5[%add3A_144, %dma_start3A_185] : memref<40x128xi32, #tpu.memory_space<vmem>> -> memref<1x128xi32, #tpu.memory_space<vmem>>
        %dma_start3A_187 = tpu.memref_squeeze %dma_start3A_186 : memref<1x128xi32, #tpu.memory_space<vmem>> -> memref<128xi32, #tpu.memory_space<vmem>>
        %dma_start3A_188 = arith.constant 0 : i32
        %dma_start3A_189 = arith.constant 0 : i32
        %dma_start3A_190 = tpu.memref_slice %arg2[%dma_start3A_188, %dma_start3A_189] : memref<10000x128xf32, #tpu.memory_space<hbm>> -> memref<10000x128xf32, #tpu.memory_space<hbm>>
        %dma_start3A_191 = tpu.memref_slice %arg7[%dma_start3A_180] : memref<4x!tpu.dma_semaphore, #tpu.memory_space<semaphore_mem>> -> memref<1x!tpu.dma_semaphore, #tpu.memory_space<semaphore_mem>>
        %dma_start3A_192 = tpu.memref_squeeze %dma_start3A_191 : memref<1x!tpu.dma_semaphore, #tpu.memory_space<semaphore_mem>> -> memref<!tpu.dma_semaphore, #tpu.memory_space<semaphore_mem>>
        tpu.enqueue_indirect_dma source(%dma_start3A_190 : memref<10000x128xf32, #tpu.memory_space<hbm>>) target(%dma_start3A_184 : memref<128x128xf32, #tpu.memory_space<vmem>>) offsets(%dma_start3A_187 : memref<128xi32, #tpu.memory_space<vmem>>) semaphore(%dma_start3A_192 : memref<!tpu.dma_semaphore, #tpu.memory_space<semaphore_mem>>)
      } else {
      }
      %mul3A_150 = arith.constant 4 : i32
      %mul3A_151 = arith.muli %scan3A_67, %mul3A_150 : i32
      %add3A_152 = arith.constant 3 : i32
      %add3A_153 = arith.addi %mul3A_151, %add3A_152 : i32
      %dma_wait3A_154 = arith.constant 3 : i32
      %dma_wait3A_155 = arith.constant 3 : i32
      %dma_wait3A_156 = arith.constant 0 : i32
      %dma_wait3A_157 = arith.constant 0 : i32
      %dma_wait3A_158 = tpu.memref_slice %arg6[%dma_wait3A_154, %dma_wait3A_156, %dma_wait3A_157] : memref<4x128x128xf32, #tpu.memory_space<vmem>> -> memref<1x128x128xf32, #tpu.memory_space<vmem>>
      %dma_wait3A_159 = tpu.memref_squeeze %dma_wait3A_158 : memref<1x128x128xf32, #tpu.memory_space<vmem>> -> memref<128x128xf32, #tpu.memory_space<vmem>>
      %dma_wait3A_160 = arith.constant 0 : i32
      %dma_wait3A_161 = tpu.memref_slice %arg5[%add3A_153, %dma_wait3A_160] : memref<40x128xi32, #tpu.memory_space<vmem>> -> memref<1x128xi32, #tpu.memory_space<vmem>>
      %dma_wait3A_162 = tpu.memref_squeeze %dma_wait3A_161 : memref<1x128xi32, #tpu.memory_space<vmem>> -> memref<128xi32, #tpu.memory_space<vmem>>
      %dma_wait3A_163 = arith.constant 0 : i32
      %dma_wait3A_164 = arith.constant 0 : i32
      %dma_wait3A_165 = tpu.memref_slice %arg2[%dma_wait3A_163, %dma_wait3A_164] : memref<10000x128xf32, #tpu.memory_space<hbm>> -> memref<10000x128xf32, #tpu.memory_space<hbm>>
      %dma_wait3A_166 = tpu.memref_slice %arg7[%dma_wait3A_155] : memref<4x!tpu.dma_semaphore, #tpu.memory_space<semaphore_mem>> -> memref<1x!tpu.dma_semaphore, #tpu.memory_space<semaphore_mem>>
      %dma_wait3A_167 = tpu.memref_squeeze %dma_wait3A_166 : memref<1x!tpu.dma_semaphore, #tpu.memory_space<semaphore_mem>> -> memref<!tpu.dma_semaphore, #tpu.memory_space<semaphore_mem>>
      tpu.wait_indirect_dma semaphore(%dma_wait3A_167 : memref<!tpu.dma_semaphore, #tpu.memory_space<semaphore_mem>>) src(%dma_wait3A_165 : memref<10000x128xf32, #tpu.memory_space<hbm>>) dst(%dma_wait3A_159 : memref<128x128xf32, #tpu.memory_space<vmem>>)
      %mul3A_168 = arith.constant 128 : i32
      %mul3A_169 = arith.muli %add3A_153, %mul3A_168 : i32
      %add3A_170 = arith.addi %mul3A_2, %mul3A_169 : i32
      %run_scoped3A_171 = arith.constant 3 : i32
      "tpu.region"() ({
        %run_scoped3A_179 = tpu.sem_alloc : memref<!tpu.dma_semaphore, #tpu.memory_space<semaphore_mem>>
        %dma_start3A_180 = arith.constant 0 : i32
        %dma_start3A_181 = arith.constant 0 : i32
        %dma_start3A_182 = tpu.memref_slice %arg6[%run_scoped3A_171, %dma_start3A_180, %dma_start3A_181] : memref<4x128x128xf32, #tpu.memory_space<vmem>> -> memref<1x128x128xf32, #tpu.memory_space<vmem>>
        %dma_start3A_183 = tpu.memref_squeeze %dma_start3A_182 : memref<1x128x128xf32, #tpu.memory_space<vmem>> -> memref<128x128xf32, #tpu.memory_space<vmem>>
        %dma_start3A_184 = arith.constant 0 : i32
        %dma_start3A_185 = tpu.memref_slice %arg4[%add3A_170, %dma_start3A_184] : memref<163840x128xf32, #tpu.memory_space<hbm>> -> memref<128x128xf32, #tpu.memory_space<hbm>>
        %dma_start3A_186 = arith.constant 0 : i32
        %dma_start3A_187 = tpu.memref_slice %arg4[%add3A_170, %dma_start3A_186] : memref<163840x128xf32, #tpu.memory_space<hbm>> -> memref<128x128xf32, #tpu.memory_space<hbm>>
        %dma_start3A_188 = arith.constant 0 : i32
        %dma_start3A_189 = arith.constant 0 : i32
        %dma_start3A_190 = tpu.memref_slice %arg6[%run_scoped3A_171, %dma_start3A_188, %dma_start3A_189] : memref<4x128x128xf32, #tpu.memory_space<vmem>> -> memref<1x128x128xf32, #tpu.memory_space<vmem>>
        %dma_start3A_191 = tpu.memref_squeeze %dma_start3A_190 : memref<1x128x128xf32, #tpu.memory_space<vmem>> -> memref<128x128xf32, #tpu.memory_space<vmem>>
        tpu.enqueue_dma source(%dma_start3A_191 : memref<128x128xf32, #tpu.memory_space<vmem>>) target(%dma_start3A_187 : memref<128x128xf32, #tpu.memory_space<hbm>>) target_semaphore(%run_scoped3A_179 : memref<!tpu.dma_semaphore, #tpu.memory_space<semaphore_mem>>)
        %dma_wait3A_192 = arith.constant 0 : i32
        %dma_wait3A_193 = arith.constant 0 : i32
        %dma_wait3A_194 = tpu.memref_slice %arg6[%run_scoped3A_171, %dma_wait3A_192, %dma_wait3A_193] : memref<4x128x128xf32, #tpu.memory_space<vmem>> -> memref<1x128x128xf32, #tpu.memory_space<vmem>>
        %dma_wait3A_195 = tpu.memref_squeeze %dma_wait3A_194 : memref<1x128x128xf32, #tpu.memory_space<vmem>> -> memref<128x128xf32, #tpu.memory_space<vmem>>
        %dma_wait3A_196 = arith.constant 0 : i32
        %dma_wait3A_197 = tpu.memref_slice %arg4[%add3A_170, %dma_wait3A_196] : memref<163840x128xf32, #tpu.memory_space<hbm>> -> memref<128x128xf32, #tpu.memory_space<hbm>>
        %dma_wait3A_198 = arith.constant 0 : i32
        %dma_wait3A_199 = tpu.memref_slice %arg4[%add3A_170, %dma_wait3A_198] : memref<163840x128xf32, #tpu.memory_space<hbm>> -> memref<128x128xf32, #tpu.memory_space<hbm>>
        %dma_wait3A_200 = arith.constant 0 : i32
        %dma_wait3A_201 = arith.constant 0 : i32
        %dma_wait3A_202 = tpu.memref_slice %arg6[%run_scoped3A_171, %dma_wait3A_200, %dma_wait3A_201] : memref<4x128x128xf32, #tpu.memory_space<vmem>> -> memref<1x128x128xf32, #tpu.memory_space<vmem>>
        %dma_wait3A_203 = tpu.memref_squeeze %dma_wait3A_202 : memref<1x128x128xf32, #tpu.memory_space<vmem>> -> memref<128x128xf32, #tpu.memory_space<vmem>>
        tpu.wait_dma2 semaphore(%run_scoped3A_179 : memref<!tpu.dma_semaphore, #tpu.memory_space<semaphore_mem>>) src(%dma_wait3A_203 : memref<128x128xf32, #tpu.memory_space<vmem>>) dst(%dma_wait3A_199 : memref<128x128xf32, #tpu.memory_space<hbm>>)
        tpu.yield
      }) : () -> ()
      %add3A_172 = arith.constant 4 : i32
      %add3A_173 = arith.addi %add3A_153, %add3A_172 : i32
      %lt3A_174 = arith.constant 40 : i32
      %lt3A_175 = arith.cmpi slt, %add3A_173, %lt3A_174 : i32
      %convert_element_type3A_176 = arith.extui %lt3A_175 : i1 to i32
      %cond3A_177 = arith.constant 0 : i32
      %cond3A_178 = arith.cmpi ne, %convert_element_type3A_176, %cond3A_177 : i32
      scf.if %cond3A_178 {
        %dma_start3A_179 = arith.constant 3 : i32
        %dma_start3A_180 = arith.constant 3 : i32
        %dma_start3A_181 = arith.constant 0 : i32
        %dma_start3A_182 = arith.constant 0 : i32
        %dma_start3A_183 = tpu.memref_slice %arg6[%dma_start3A_179, %dma_start3A_181, %dma_start3A_182] : memref<4x128x128xf32, #tpu.memory_space<vmem>> -> memref<1x128x128xf32, #tpu.memory_space<vmem>>
        %dma_start3A_184 = tpu.memref_squeeze %dma_start3A_183 : memref<1x128x128xf32, #tpu.memory_space<vmem>> -> memref<128x128xf32, #tpu.memory_space<vmem>>
        %dma_start3A_185 = arith.constant 0 : i32
        %dma_start3A_186 = tpu.memref_slice %arg5[%add3A_173, %dma_start3A_185] : memref<40x128xi32, #tpu.memory_space<vmem>> -> memref<1x128xi32, #tpu.memory_space<vmem>>
        %dma_start3A_187 = tpu.memref_squeeze %dma_start3A_186 : memref<1x128xi32, #tpu.memory_space<vmem>> -> memref<128xi32, #tpu.memory_space<vmem>>
        %dma_start3A_188 = arith.constant 0 : i32
        %dma_start3A_189 = arith.constant 0 : i32
        %dma_start3A_190 = tpu.memref_slice %arg2[%dma_start3A_188, %dma_start3A_189] : memref<10000x128xf32, #tpu.memory_space<hbm>> -> memref<10000x128xf32, #tpu.memory_space<hbm>>
        %dma_start3A_191 = tpu.memref_slice %arg7[%dma_start3A_180] : memref<4x!tpu.dma_semaphore, #tpu.memory_space<semaphore_mem>> -> memref<1x!tpu.dma_semaphore, #tpu.memory_space<semaphore_mem>>
        %dma_start3A_192 = tpu.memref_squeeze %dma_start3A_191 : memref<1x!tpu.dma_semaphore, #tpu.memory_space<semaphore_mem>> -> memref<!tpu.dma_semaphore, #tpu.memory_space<semaphore_mem>>
        tpu.enqueue_indirect_dma source(%dma_start3A_190 : memref<10000x128xf32, #tpu.memory_space<hbm>>) target(%dma_start3A_184 : memref<128x128xf32, #tpu.memory_space<vmem>>) offsets(%dma_start3A_187 : memref<128xi32, #tpu.memory_space<vmem>>) semaphore(%dma_start3A_192 : memref<!tpu.dma_semaphore, #tpu.memory_space<semaphore_mem>>)
      } else {
      }
    }
    %scan3A_66 = arith.constant 10 : i32
    return
  }
}

#map = affine_map<(d0, d1) -> (0, 0)>
#map1 = affine_map<(d0, d1) -> (0, 0, 0)>
module attributes {stable_mosaic.version = 14 : i64} {
  func.func @_scatter_body(%arg0: i32, %arg1: i32, %arg2: memref<163840x16xf32, #tpu.memory_space<hbm>>, %arg3: memref<32x40x128xi32, #tpu.memory_space<hbm>>, %arg4: memref<10240x16xf32, #tpu.memory_space<hbm>>, %arg5: memref<2x10240x16xf32, #tpu.memory_space<hbm>>, %arg6: memref<40x128xi32, #tpu.memory_space<vmem>>, %arg7: memref<2x128x16xf32, #tpu.memory_space<vmem>>, %arg8: memref<10240x16xf32, #tpu.memory_space<vmem_shared>>, %arg9: memref<2x!tpu.dma_semaphore, #tpu.memory_space<semaphore_mem>>) attributes {dimension_semantics = [#tpu.dimension_semantics<core_parallel>, #tpu.dimension_semantics<subcore_parallel>], iteration_bounds = array<i64: 2, 16>, scalar_prefetch = 0 : i64, scratch_operands = 4 : i64, tpu.core_type = #tpu.core_type<sc_vector_subcore>, window_params = [{transform_indices = #map}, {transform_indices = #map1}, {transform_indices = #map}, {transform_indices = #map1}]} {
    %mul3A = arith.constant 2 : i32
    %mul3A_0 = arith.muli %arg1, %mul3A : i32
    %add3A = arith.addi %mul3A_0, %arg0 : i32
    %mul3A_1 = arith.constant 640 : i32
    %mul3A_2 = arith.muli %arg1, %mul3A_1 : i32
    "tpu.region"() ({
      %run_scoped3A = tpu.sem_alloc : memref<!tpu.dma_semaphore, #tpu.memory_space<semaphore_mem>>
      %dma_start3A_46 = arith.constant 0 : i32
      %dma_start3A_47 = tpu.memref_slice %arg8[%mul3A_2, %dma_start3A_46] : memref<10240x16xf32, #tpu.memory_space<vmem_shared>> -> memref<640x16xf32, #tpu.memory_space<vmem_shared>>
      %dma_start3A_48 = arith.constant 0 : i32
      %dma_start3A_49 = tpu.memref_slice %arg4[%mul3A_2, %dma_start3A_48] : memref<10240x16xf32, #tpu.memory_space<hbm>> -> memref<640x16xf32, #tpu.memory_space<hbm>>
      tpu.enqueue_dma source(%dma_start3A_49 : memref<640x16xf32, #tpu.memory_space<hbm>>) target(%dma_start3A_47 : memref<640x16xf32, #tpu.memory_space<vmem_shared>>) target_semaphore(%run_scoped3A : memref<!tpu.dma_semaphore, #tpu.memory_space<semaphore_mem>>)
      %dma_wait3A = arith.constant 0 : i32
      %dma_wait3A_50 = tpu.memref_slice %arg8[%mul3A_2, %dma_wait3A] : memref<10240x16xf32, #tpu.memory_space<vmem_shared>> -> memref<640x16xf32, #tpu.memory_space<vmem_shared>>
      %dma_wait3A_51 = arith.constant 0 : i32
      %dma_wait3A_52 = tpu.memref_slice %arg4[%mul3A_2, %dma_wait3A_51] : memref<10240x16xf32, #tpu.memory_space<hbm>> -> memref<640x16xf32, #tpu.memory_space<hbm>>
      tpu.wait_dma2 semaphore(%run_scoped3A : memref<!tpu.dma_semaphore, #tpu.memory_space<semaphore_mem>>) src(%dma_wait3A_52 : memref<640x16xf32, #tpu.memory_space<hbm>>) dst(%dma_wait3A_50 : memref<640x16xf32, #tpu.memory_space<vmem_shared>>)
      tpu.yield
    }) : () -> ()
    %barrier3A = arith.constant 0 : index
    tpu.barrier barrier_id(%barrier3A)
    "tpu.region"() ({
      %run_scoped3A = tpu.sem_alloc : memref<!tpu.dma_semaphore, #tpu.memory_space<semaphore_mem>>
      %dma_start3A_46 = arith.constant 0 : i32
      %dma_start3A_47 = arith.constant 0 : i32
      %dma_start3A_48 = tpu.memref_slice %arg3[%add3A, %dma_start3A_46, %dma_start3A_47] : memref<32x40x128xi32, #tpu.memory_space<hbm>> -> memref<1x40x128xi32, #tpu.memory_space<hbm>>
      %dma_start3A_49 = tpu.memref_squeeze %dma_start3A_48 : memref<1x40x128xi32, #tpu.memory_space<hbm>> -> memref<40x128xi32, #tpu.memory_space<hbm>>
      %dma_start3A_50 = arith.constant 0 : i32
      %dma_start3A_51 = arith.constant 0 : i32
      %dma_start3A_52 = tpu.memref_slice %arg3[%add3A, %dma_start3A_50, %dma_start3A_51] : memref<32x40x128xi32, #tpu.memory_space<hbm>> -> memref<1x40x128xi32, #tpu.memory_space<hbm>>
      %dma_start3A_53 = tpu.memref_squeeze %dma_start3A_52 : memref<1x40x128xi32, #tpu.memory_space<hbm>> -> memref<40x128xi32, #tpu.memory_space<hbm>>
      tpu.enqueue_dma source(%dma_start3A_53 : memref<40x128xi32, #tpu.memory_space<hbm>>) target(%arg6 : memref<40x128xi32, #tpu.memory_space<vmem>>) target_semaphore(%run_scoped3A : memref<!tpu.dma_semaphore, #tpu.memory_space<semaphore_mem>>)
      %dma_wait3A = arith.constant 0 : i32
      %dma_wait3A_54 = arith.constant 0 : i32
      %dma_wait3A_55 = tpu.memref_slice %arg3[%add3A, %dma_wait3A, %dma_wait3A_54] : memref<32x40x128xi32, #tpu.memory_space<hbm>> -> memref<1x40x128xi32, #tpu.memory_space<hbm>>
      %dma_wait3A_56 = tpu.memref_squeeze %dma_wait3A_55 : memref<1x40x128xi32, #tpu.memory_space<hbm>> -> memref<40x128xi32, #tpu.memory_space<hbm>>
      %dma_wait3A_57 = arith.constant 0 : i32
      %dma_wait3A_58 = arith.constant 0 : i32
      %dma_wait3A_59 = tpu.memref_slice %arg3[%add3A, %dma_wait3A_57, %dma_wait3A_58] : memref<32x40x128xi32, #tpu.memory_space<hbm>> -> memref<1x40x128xi32, #tpu.memory_space<hbm>>
      %dma_wait3A_60 = tpu.memref_squeeze %dma_wait3A_59 : memref<1x40x128xi32, #tpu.memory_space<hbm>> -> memref<40x128xi32, #tpu.memory_space<hbm>>
      tpu.wait_dma2 semaphore(%run_scoped3A : memref<!tpu.dma_semaphore, #tpu.memory_space<semaphore_mem>>) src(%dma_wait3A_60 : memref<40x128xi32, #tpu.memory_space<hbm>>) dst(%arg6 : memref<40x128xi32, #tpu.memory_space<vmem>>)
      tpu.yield
    }) : () -> ()
    %mul3A_3 = arith.constant 5120 : i32
    %mul3A_4 = arith.muli %add3A, %mul3A_3 : i32
    %add3A_5 = arith.constant 0 : i32
    %add3A_6 = arith.addi %mul3A_4, %add3A_5 : i32
    %dma_start3A = arith.constant 0 : i32
    %dma_start3A_7 = arith.constant 0 : i32
    %dma_start3A_8 = arith.constant 0 : i32
    %dma_start3A_9 = arith.constant 0 : i32
    %dma_start3A_10 = tpu.memref_slice %arg7[%dma_start3A, %dma_start3A_8, %dma_start3A_9] : memref<2x128x16xf32, #tpu.memory_space<vmem>> -> memref<1x128x16xf32, #tpu.memory_space<vmem>>
    %dma_start3A_11 = tpu.memref_squeeze %dma_start3A_10 : memref<1x128x16xf32, #tpu.memory_space<vmem>> -> memref<128x16xf32, #tpu.memory_space<vmem>>
    %dma_start3A_12 = arith.constant 0 : i32
    %dma_start3A_13 = tpu.memref_slice %arg2[%add3A_6, %dma_start3A_12] : memref<163840x16xf32, #tpu.memory_space<hbm>> -> memref<128x16xf32, #tpu.memory_space<hbm>>
    %dma_start3A_14 = tpu.memref_slice %arg9[%dma_start3A_7] : memref<2x!tpu.dma_semaphore, #tpu.memory_space<semaphore_mem>> -> memref<1x!tpu.dma_semaphore, #tpu.memory_space<semaphore_mem>>
    %dma_start3A_15 = tpu.memref_squeeze %dma_start3A_14 : memref<1x!tpu.dma_semaphore, #tpu.memory_space<semaphore_mem>> -> memref<!tpu.dma_semaphore, #tpu.memory_space<semaphore_mem>>
    %dma_start3A_16 = arith.constant 0 : i32
    %dma_start3A_17 = arith.constant 0 : i32
    %dma_start3A_18 = tpu.memref_slice %arg7[%dma_start3A, %dma_start3A_16, %dma_start3A_17] : memref<2x128x16xf32, #tpu.memory_space<vmem>> -> memref<1x128x16xf32, #tpu.memory_space<vmem>>
    %dma_start3A_19 = tpu.memref_squeeze %dma_start3A_18 : memref<1x128x16xf32, #tpu.memory_space<vmem>> -> memref<128x16xf32, #tpu.memory_space<vmem>>
    %dma_start3A_20 = arith.constant 0 : i32
    %dma_start3A_21 = tpu.memref_slice %arg2[%add3A_6, %dma_start3A_20] : memref<163840x16xf32, #tpu.memory_space<hbm>> -> memref<128x16xf32, #tpu.memory_space<hbm>>
    tpu.enqueue_dma source(%dma_start3A_21 : memref<128x16xf32, #tpu.memory_space<hbm>>) target(%dma_start3A_19 : memref<128x16xf32, #tpu.memory_space<vmem>>) target_semaphore(%dma_start3A_15 : memref<!tpu.dma_semaphore, #tpu.memory_space<semaphore_mem>>)
    %add3A_22 = arith.constant 128 : i32
    %add3A_23 = arith.addi %mul3A_4, %add3A_22 : i32
    %dma_start3A_24 = arith.constant 1 : i32
    %dma_start3A_25 = arith.constant 1 : i32
    %dma_start3A_26 = arith.constant 0 : i32
    %dma_start3A_27 = arith.constant 0 : i32
    %dma_start3A_28 = tpu.memref_slice %arg7[%dma_start3A_24, %dma_start3A_26, %dma_start3A_27] : memref<2x128x16xf32, #tpu.memory_space<vmem>> -> memref<1x128x16xf32, #tpu.memory_space<vmem>>
    %dma_start3A_29 = tpu.memref_squeeze %dma_start3A_28 : memref<1x128x16xf32, #tpu.memory_space<vmem>> -> memref<128x16xf32, #tpu.memory_space<vmem>>
    %dma_start3A_30 = arith.constant 0 : i32
    %dma_start3A_31 = tpu.memref_slice %arg2[%add3A_23, %dma_start3A_30] : memref<163840x16xf32, #tpu.memory_space<hbm>> -> memref<128x16xf32, #tpu.memory_space<hbm>>
    %dma_start3A_32 = tpu.memref_slice %arg9[%dma_start3A_25] : memref<2x!tpu.dma_semaphore, #tpu.memory_space<semaphore_mem>> -> memref<1x!tpu.dma_semaphore, #tpu.memory_space<semaphore_mem>>
    %dma_start3A_33 = tpu.memref_squeeze %dma_start3A_32 : memref<1x!tpu.dma_semaphore, #tpu.memory_space<semaphore_mem>> -> memref<!tpu.dma_semaphore, #tpu.memory_space<semaphore_mem>>
    %dma_start3A_34 = arith.constant 0 : i32
    %dma_start3A_35 = arith.constant 0 : i32
    %dma_start3A_36 = tpu.memref_slice %arg7[%dma_start3A_24, %dma_start3A_34, %dma_start3A_35] : memref<2x128x16xf32, #tpu.memory_space<vmem>> -> memref<1x128x16xf32, #tpu.memory_space<vmem>>
    %dma_start3A_37 = tpu.memref_squeeze %dma_start3A_36 : memref<1x128x16xf32, #tpu.memory_space<vmem>> -> memref<128x16xf32, #tpu.memory_space<vmem>>
    %dma_start3A_38 = arith.constant 0 : i32
    %dma_start3A_39 = tpu.memref_slice %arg2[%add3A_23, %dma_start3A_38] : memref<163840x16xf32, #tpu.memory_space<hbm>> -> memref<128x16xf32, #tpu.memory_space<hbm>>
    tpu.enqueue_dma source(%dma_start3A_39 : memref<128x16xf32, #tpu.memory_space<hbm>>) target(%dma_start3A_37 : memref<128x16xf32, #tpu.memory_space<vmem>>) target_semaphore(%dma_start3A_33 : memref<!tpu.dma_semaphore, #tpu.memory_space<semaphore_mem>>)
    %scan3A = arith.constant 0 : i32
    %scan3A_40 = arith.constant 0 : i32
    %scan3A_41 = arith.constant 20 : i32
    %scan3A_42 = arith.addi %scan3A_40, %scan3A_41 : i32
    %scan3A_43 = arith.constant 1 : i32
    scf.for %scan3A_46 = %scan3A_40 to %scan3A_42 step %scan3A_43  : i32 {
      %mul3A_47 = arith.constant 2 : i32
      %mul3A_48 = arith.muli %scan3A_46, %mul3A_47 : i32
      %add3A_49 = arith.constant 0 : i32
      %add3A_50 = arith.addi %mul3A_48, %add3A_49 : i32
      %mul3A_51 = arith.constant 128 : i32
      %mul3A_52 = arith.muli %add3A_50, %mul3A_51 : i32
      %add3A_53 = arith.addi %mul3A_4, %mul3A_52 : i32
      %dma_wait3A = arith.constant 0 : i32
      %dma_wait3A_54 = arith.constant 0 : i32
      %dma_wait3A_55 = arith.constant 0 : i32
      %dma_wait3A_56 = arith.constant 0 : i32
      %dma_wait3A_57 = tpu.memref_slice %arg7[%dma_wait3A, %dma_wait3A_55, %dma_wait3A_56] : memref<2x128x16xf32, #tpu.memory_space<vmem>> -> memref<1x128x16xf32, #tpu.memory_space<vmem>>
      %dma_wait3A_58 = tpu.memref_squeeze %dma_wait3A_57 : memref<1x128x16xf32, #tpu.memory_space<vmem>> -> memref<128x16xf32, #tpu.memory_space<vmem>>
      %dma_wait3A_59 = arith.constant 0 : i32
      %dma_wait3A_60 = tpu.memref_slice %arg2[%add3A_53, %dma_wait3A_59] : memref<163840x16xf32, #tpu.memory_space<hbm>> -> memref<128x16xf32, #tpu.memory_space<hbm>>
      %dma_wait3A_61 = tpu.memref_slice %arg9[%dma_wait3A_54] : memref<2x!tpu.dma_semaphore, #tpu.memory_space<semaphore_mem>> -> memref<1x!tpu.dma_semaphore, #tpu.memory_space<semaphore_mem>>
      %dma_wait3A_62 = tpu.memref_squeeze %dma_wait3A_61 : memref<1x!tpu.dma_semaphore, #tpu.memory_space<semaphore_mem>> -> memref<!tpu.dma_semaphore, #tpu.memory_space<semaphore_mem>>
      %dma_wait3A_63 = arith.constant 0 : i32
      %dma_wait3A_64 = arith.constant 0 : i32
      %dma_wait3A_65 = tpu.memref_slice %arg7[%dma_wait3A, %dma_wait3A_63, %dma_wait3A_64] : memref<2x128x16xf32, #tpu.memory_space<vmem>> -> memref<1x128x16xf32, #tpu.memory_space<vmem>>
      %dma_wait3A_66 = tpu.memref_squeeze %dma_wait3A_65 : memref<1x128x16xf32, #tpu.memory_space<vmem>> -> memref<128x16xf32, #tpu.memory_space<vmem>>
      %dma_wait3A_67 = arith.constant 0 : i32
      %dma_wait3A_68 = tpu.memref_slice %arg2[%add3A_53, %dma_wait3A_67] : memref<163840x16xf32, #tpu.memory_space<hbm>> -> memref<128x16xf32, #tpu.memory_space<hbm>>
      tpu.wait_dma2 semaphore(%dma_wait3A_62 : memref<!tpu.dma_semaphore, #tpu.memory_space<semaphore_mem>>) src(%dma_wait3A_68 : memref<128x16xf32, #tpu.memory_space<hbm>>) dst(%dma_wait3A_66 : memref<128x16xf32, #tpu.memory_space<vmem>>)
      %mul3A_69 = arith.constant 128 : i32
      %mul3A_70 = arith.muli %add3A_50, %mul3A_69 : i32
      %add3A_71 = arith.addi %mul3A_4, %mul3A_70 : i32
      %lt3A = arith.constant 160000 : i32
      %lt3A_72 = arith.cmpi slt, %add3A_71, %lt3A : i32
      %convert_element_type3A = arith.extui %lt3A_72 : i1 to i32
      %cond3A = arith.constant 0 : i32
      %cond3A_73 = arith.cmpi ne, %convert_element_type3A, %cond3A : i32
      scf.if %cond3A_73 {
        %run_scoped3A = arith.constant 0 : i32
        "tpu.region"() ({
          %run_scoped3A_119 = tpu.sem_alloc : memref<!tpu.dma_semaphore, #tpu.memory_space<semaphore_mem>>
          %dma_start3A_120 = arith.constant 0 : i32
          %dma_start3A_121 = arith.constant 0 : i32
          %dma_start3A_122 = tpu.memref_slice %arg7[%run_scoped3A, %dma_start3A_120, %dma_start3A_121] : memref<2x128x16xf32, #tpu.memory_space<vmem>> -> memref<1x128x16xf32, #tpu.memory_space<vmem>>
          %dma_start3A_123 = tpu.memref_squeeze %dma_start3A_122 : memref<1x128x16xf32, #tpu.memory_space<vmem>> -> memref<128x16xf32, #tpu.memory_space<vmem>>
          %dma_start3A_124 = arith.constant 0 : i32
          %dma_start3A_125 = tpu.memref_slice %arg6[%add3A_50, %dma_start3A_124] : memref<40x128xi32, #tpu.memory_space<vmem>> -> memref<1x128xi32, #tpu.memory_space<vmem>>
          %dma_start3A_126 = tpu.memref_squeeze %dma_start3A_125 : memref<1x128xi32, #tpu.memory_space<vmem>> -> memref<128xi32, #tpu.memory_space<vmem>>
          %dma_start3A_127 = arith.constant 0 : i32
          %dma_start3A_128 = arith.constant 0 : i32
          %dma_start3A_129 = tpu.memref_slice %arg8[%dma_start3A_127, %dma_start3A_128] : memref<10240x16xf32, #tpu.memory_space<vmem_shared>> -> memref<10240x16xf32, #tpu.memory_space<vmem_shared>>
          tpu.enqueue_indirect_dma source(%dma_start3A_123 : memref<128x16xf32, #tpu.memory_space<vmem>>) target(%dma_start3A_129 : memref<10240x16xf32, #tpu.memory_space<vmem_shared>>) offsets(%dma_start3A_126 : memref<128xi32, #tpu.memory_space<vmem>>) semaphore(%run_scoped3A_119 : memref<!tpu.dma_semaphore, #tpu.memory_space<semaphore_mem>>) {add = true}
          %dma_wait3A_130 = arith.constant 0 : i32
          %dma_wait3A_131 = arith.constant 0 : i32
          %dma_wait3A_132 = tpu.memref_slice %arg7[%run_scoped3A, %dma_wait3A_130, %dma_wait3A_131] : memref<2x128x16xf32, #tpu.memory_space<vmem>> -> memref<1x128x16xf32, #tpu.memory_space<vmem>>
          %dma_wait3A_133 = tpu.memref_squeeze %dma_wait3A_132 : memref<1x128x16xf32, #tpu.memory_space<vmem>> -> memref<128x16xf32, #tpu.memory_space<vmem>>
          %dma_wait3A_134 = arith.constant 0 : i32
          %dma_wait3A_135 = tpu.memref_slice %arg6[%add3A_50, %dma_wait3A_134] : memref<40x128xi32, #tpu.memory_space<vmem>> -> memref<1x128xi32, #tpu.memory_space<vmem>>
          %dma_wait3A_136 = tpu.memref_squeeze %dma_wait3A_135 : memref<1x128xi32, #tpu.memory_space<vmem>> -> memref<128xi32, #tpu.memory_space<vmem>>
          %dma_wait3A_137 = arith.constant 0 : i32
          %dma_wait3A_138 = arith.constant 0 : i32
          %dma_wait3A_139 = tpu.memref_slice %arg8[%dma_wait3A_137, %dma_wait3A_138] : memref<10240x16xf32, #tpu.memory_space<vmem_shared>> -> memref<10240x16xf32, #tpu.memory_space<vmem_shared>>
          tpu.wait_indirect_dma semaphore(%run_scoped3A_119 : memref<!tpu.dma_semaphore, #tpu.memory_space<semaphore_mem>>) src(%dma_wait3A_133 : memref<128x16xf32, #tpu.memory_space<vmem>>) dst(%dma_wait3A_139 : memref<10240x16xf32, #tpu.memory_space<vmem_shared>>)
          tpu.yield
        }) : () -> ()
      } else {
      }
      %add3A_74 = arith.constant 2 : i32
      %add3A_75 = arith.addi %add3A_50, %add3A_74 : i32
      %lt3A_76 = arith.constant 40 : i32
      %lt3A_77 = arith.cmpi slt, %add3A_75, %lt3A_76 : i32
      %convert_element_type3A_78 = arith.extui %lt3A_77 : i1 to i32
      %cond3A_79 = arith.constant 0 : i32
      %cond3A_80 = arith.cmpi ne, %convert_element_type3A_78, %cond3A_79 : i32
      scf.if %cond3A_80 {
        %mul3A_119 = arith.constant 128 : i32
        %mul3A_120 = arith.muli %add3A_75, %mul3A_119 : i32
        %add3A_121 = arith.addi %mul3A_4, %mul3A_120 : i32
        %dma_start3A_122 = arith.constant 0 : i32
        %dma_start3A_123 = arith.constant 0 : i32
        %dma_start3A_124 = arith.constant 0 : i32
        %dma_start3A_125 = arith.constant 0 : i32
        %dma_start3A_126 = tpu.memref_slice %arg7[%dma_start3A_122, %dma_start3A_124, %dma_start3A_125] : memref<2x128x16xf32, #tpu.memory_space<vmem>> -> memref<1x128x16xf32, #tpu.memory_space<vmem>>
        %dma_start3A_127 = tpu.memref_squeeze %dma_start3A_126 : memref<1x128x16xf32, #tpu.memory_space<vmem>> -> memref<128x16xf32, #tpu.memory_space<vmem>>
        %dma_start3A_128 = arith.constant 0 : i32
        %dma_start3A_129 = tpu.memref_slice %arg2[%add3A_121, %dma_start3A_128] : memref<163840x16xf32, #tpu.memory_space<hbm>> -> memref<128x16xf32, #tpu.memory_space<hbm>>
        %dma_start3A_130 = tpu.memref_slice %arg9[%dma_start3A_123] : memref<2x!tpu.dma_semaphore, #tpu.memory_space<semaphore_mem>> -> memref<1x!tpu.dma_semaphore, #tpu.memory_space<semaphore_mem>>
        %dma_start3A_131 = tpu.memref_squeeze %dma_start3A_130 : memref<1x!tpu.dma_semaphore, #tpu.memory_space<semaphore_mem>> -> memref<!tpu.dma_semaphore, #tpu.memory_space<semaphore_mem>>
        %dma_start3A_132 = arith.constant 0 : i32
        %dma_start3A_133 = arith.constant 0 : i32
        %dma_start3A_134 = tpu.memref_slice %arg7[%dma_start3A_122, %dma_start3A_132, %dma_start3A_133] : memref<2x128x16xf32, #tpu.memory_space<vmem>> -> memref<1x128x16xf32, #tpu.memory_space<vmem>>
        %dma_start3A_135 = tpu.memref_squeeze %dma_start3A_134 : memref<1x128x16xf32, #tpu.memory_space<vmem>> -> memref<128x16xf32, #tpu.memory_space<vmem>>
        %dma_start3A_136 = arith.constant 0 : i32
        %dma_start3A_137 = tpu.memref_slice %arg2[%add3A_121, %dma_start3A_136] : memref<163840x16xf32, #tpu.memory_space<hbm>> -> memref<128x16xf32, #tpu.memory_space<hbm>>
        tpu.enqueue_dma source(%dma_start3A_137 : memref<128x16xf32, #tpu.memory_space<hbm>>) target(%dma_start3A_135 : memref<128x16xf32, #tpu.memory_space<vmem>>) target_semaphore(%dma_start3A_131 : memref<!tpu.dma_semaphore, #tpu.memory_space<semaphore_mem>>)
      } else {
      }
      %mul3A_81 = arith.constant 2 : i32
      %mul3A_82 = arith.muli %scan3A_46, %mul3A_81 : i32
      %add3A_83 = arith.constant 1 : i32
      %add3A_84 = arith.addi %mul3A_82, %add3A_83 : i32
      %mul3A_85 = arith.constant 128 : i32
      %mul3A_86 = arith.muli %add3A_84, %mul3A_85 : i32
      %add3A_87 = arith.addi %mul3A_4, %mul3A_86 : i32
      %dma_wait3A_88 = arith.constant 1 : i32
      %dma_wait3A_89 = arith.constant 1 : i32
      %dma_wait3A_90 = arith.constant 0 : i32
      %dma_wait3A_91 = arith.constant 0 : i32
      %dma_wait3A_92 = tpu.memref_slice %arg7[%dma_wait3A_88, %dma_wait3A_90, %dma_wait3A_91] : memref<2x128x16xf32, #tpu.memory_space<vmem>> -> memref<1x128x16xf32, #tpu.memory_space<vmem>>
      %dma_wait3A_93 = tpu.memref_squeeze %dma_wait3A_92 : memref<1x128x16xf32, #tpu.memory_space<vmem>> -> memref<128x16xf32, #tpu.memory_space<vmem>>
      %dma_wait3A_94 = arith.constant 0 : i32
      %dma_wait3A_95 = tpu.memref_slice %arg2[%add3A_87, %dma_wait3A_94] : memref<163840x16xf32, #tpu.memory_space<hbm>> -> memref<128x16xf32, #tpu.memory_space<hbm>>
      %dma_wait3A_96 = tpu.memref_slice %arg9[%dma_wait3A_89] : memref<2x!tpu.dma_semaphore, #tpu.memory_space<semaphore_mem>> -> memref<1x!tpu.dma_semaphore, #tpu.memory_space<semaphore_mem>>
      %dma_wait3A_97 = tpu.memref_squeeze %dma_wait3A_96 : memref<1x!tpu.dma_semaphore, #tpu.memory_space<semaphore_mem>> -> memref<!tpu.dma_semaphore, #tpu.memory_space<semaphore_mem>>
      %dma_wait3A_98 = arith.constant 0 : i32
      %dma_wait3A_99 = arith.constant 0 : i32
      %dma_wait3A_100 = tpu.memref_slice %arg7[%dma_wait3A_88, %dma_wait3A_98, %dma_wait3A_99] : memref<2x128x16xf32, #tpu.memory_space<vmem>> -> memref<1x128x16xf32, #tpu.memory_space<vmem>>
      %dma_wait3A_101 = tpu.memref_squeeze %dma_wait3A_100 : memref<1x128x16xf32, #tpu.memory_space<vmem>> -> memref<128x16xf32, #tpu.memory_space<vmem>>
      %dma_wait3A_102 = arith.constant 0 : i32
      %dma_wait3A_103 = tpu.memref_slice %arg2[%add3A_87, %dma_wait3A_102] : memref<163840x16xf32, #tpu.memory_space<hbm>> -> memref<128x16xf32, #tpu.memory_space<hbm>>
      tpu.wait_dma2 semaphore(%dma_wait3A_97 : memref<!tpu.dma_semaphore, #tpu.memory_space<semaphore_mem>>) src(%dma_wait3A_103 : memref<128x16xf32, #tpu.memory_space<hbm>>) dst(%dma_wait3A_101 : memref<128x16xf32, #tpu.memory_space<vmem>>)
      %mul3A_104 = arith.constant 128 : i32
      %mul3A_105 = arith.muli %add3A_84, %mul3A_104 : i32
      %add3A_106 = arith.addi %mul3A_4, %mul3A_105 : i32
      %lt3A_107 = arith.constant 160000 : i32
      %lt3A_108 = arith.cmpi slt, %add3A_106, %lt3A_107 : i32
      %convert_element_type3A_109 = arith.extui %lt3A_108 : i1 to i32
      %cond3A_110 = arith.constant 0 : i32
      %cond3A_111 = arith.cmpi ne, %convert_element_type3A_109, %cond3A_110 : i32
      scf.if %cond3A_111 {
        %run_scoped3A = arith.constant 1 : i32
        "tpu.region"() ({
          %run_scoped3A_119 = tpu.sem_alloc : memref<!tpu.dma_semaphore, #tpu.memory_space<semaphore_mem>>
          %dma_start3A_120 = arith.constant 0 : i32
          %dma_start3A_121 = arith.constant 0 : i32
          %dma_start3A_122 = tpu.memref_slice %arg7[%run_scoped3A, %dma_start3A_120, %dma_start3A_121] : memref<2x128x16xf32, #tpu.memory_space<vmem>> -> memref<1x128x16xf32, #tpu.memory_space<vmem>>
          %dma_start3A_123 = tpu.memref_squeeze %dma_start3A_122 : memref<1x128x16xf32, #tpu.memory_space<vmem>> -> memref<128x16xf32, #tpu.memory_space<vmem>>
          %dma_start3A_124 = arith.constant 0 : i32
          %dma_start3A_125 = tpu.memref_slice %arg6[%add3A_84, %dma_start3A_124] : memref<40x128xi32, #tpu.memory_space<vmem>> -> memref<1x128xi32, #tpu.memory_space<vmem>>
          %dma_start3A_126 = tpu.memref_squeeze %dma_start3A_125 : memref<1x128xi32, #tpu.memory_space<vmem>> -> memref<128xi32, #tpu.memory_space<vmem>>
          %dma_start3A_127 = arith.constant 0 : i32
          %dma_start3A_128 = arith.constant 0 : i32
          %dma_start3A_129 = tpu.memref_slice %arg8[%dma_start3A_127, %dma_start3A_128] : memref<10240x16xf32, #tpu.memory_space<vmem_shared>> -> memref<10240x16xf32, #tpu.memory_space<vmem_shared>>
          tpu.enqueue_indirect_dma source(%dma_start3A_123 : memref<128x16xf32, #tpu.memory_space<vmem>>) target(%dma_start3A_129 : memref<10240x16xf32, #tpu.memory_space<vmem_shared>>) offsets(%dma_start3A_126 : memref<128xi32, #tpu.memory_space<vmem>>) semaphore(%run_scoped3A_119 : memref<!tpu.dma_semaphore, #tpu.memory_space<semaphore_mem>>) {add = true}
          %dma_wait3A_130 = arith.constant 0 : i32
          %dma_wait3A_131 = arith.constant 0 : i32
          %dma_wait3A_132 = tpu.memref_slice %arg7[%run_scoped3A, %dma_wait3A_130, %dma_wait3A_131] : memref<2x128x16xf32, #tpu.memory_space<vmem>> -> memref<1x128x16xf32, #tpu.memory_space<vmem>>
          %dma_wait3A_133 = tpu.memref_squeeze %dma_wait3A_132 : memref<1x128x16xf32, #tpu.memory_space<vmem>> -> memref<128x16xf32, #tpu.memory_space<vmem>>
          %dma_wait3A_134 = arith.constant 0 : i32
          %dma_wait3A_135 = tpu.memref_slice %arg6[%add3A_84, %dma_wait3A_134] : memref<40x128xi32, #tpu.memory_space<vmem>> -> memref<1x128xi32, #tpu.memory_space<vmem>>
          %dma_wait3A_136 = tpu.memref_squeeze %dma_wait3A_135 : memref<1x128xi32, #tpu.memory_space<vmem>> -> memref<128xi32, #tpu.memory_space<vmem>>
          %dma_wait3A_137 = arith.constant 0 : i32
          %dma_wait3A_138 = arith.constant 0 : i32
          %dma_wait3A_139 = tpu.memref_slice %arg8[%dma_wait3A_137, %dma_wait3A_138] : memref<10240x16xf32, #tpu.memory_space<vmem_shared>> -> memref<10240x16xf32, #tpu.memory_space<vmem_shared>>
          tpu.wait_indirect_dma semaphore(%run_scoped3A_119 : memref<!tpu.dma_semaphore, #tpu.memory_space<semaphore_mem>>) src(%dma_wait3A_133 : memref<128x16xf32, #tpu.memory_space<vmem>>) dst(%dma_wait3A_139 : memref<10240x16xf32, #tpu.memory_space<vmem_shared>>)
          tpu.yield
        }) : () -> ()
      } else {
      }
      %add3A_112 = arith.constant 2 : i32
      %add3A_113 = arith.addi %add3A_84, %add3A_112 : i32
      %lt3A_114 = arith.constant 40 : i32
      %lt3A_115 = arith.cmpi slt, %add3A_113, %lt3A_114 : i32
      %convert_element_type3A_116 = arith.extui %lt3A_115 : i1 to i32
      %cond3A_117 = arith.constant 0 : i32
      %cond3A_118 = arith.cmpi ne, %convert_element_type3A_116, %cond3A_117 : i32
      scf.if %cond3A_118 {
        %mul3A_119 = arith.constant 128 : i32
        %mul3A_120 = arith.muli %add3A_113, %mul3A_119 : i32
        %add3A_121 = arith.addi %mul3A_4, %mul3A_120 : i32
        %dma_start3A_122 = arith.constant 1 : i32
        %dma_start3A_123 = arith.constant 1 : i32
        %dma_start3A_124 = arith.constant 0 : i32
        %dma_start3A_125 = arith.constant 0 : i32
        %dma_start3A_126 = tpu.memref_slice %arg7[%dma_start3A_122, %dma_start3A_124, %dma_start3A_125] : memref<2x128x16xf32, #tpu.memory_space<vmem>> -> memref<1x128x16xf32, #tpu.memory_space<vmem>>
        %dma_start3A_127 = tpu.memref_squeeze %dma_start3A_126 : memref<1x128x16xf32, #tpu.memory_space<vmem>> -> memref<128x16xf32, #tpu.memory_space<vmem>>
        %dma_start3A_128 = arith.constant 0 : i32
        %dma_start3A_129 = tpu.memref_slice %arg2[%add3A_121, %dma_start3A_128] : memref<163840x16xf32, #tpu.memory_space<hbm>> -> memref<128x16xf32, #tpu.memory_space<hbm>>
        %dma_start3A_130 = tpu.memref_slice %arg9[%dma_start3A_123] : memref<2x!tpu.dma_semaphore, #tpu.memory_space<semaphore_mem>> -> memref<1x!tpu.dma_semaphore, #tpu.memory_space<semaphore_mem>>
        %dma_start3A_131 = tpu.memref_squeeze %dma_start3A_130 : memref<1x!tpu.dma_semaphore, #tpu.memory_space<semaphore_mem>> -> memref<!tpu.dma_semaphore, #tpu.memory_space<semaphore_mem>>
        %dma_start3A_132 = arith.constant 0 : i32
        %dma_start3A_133 = arith.constant 0 : i32
        %dma_start3A_134 = tpu.memref_slice %arg7[%dma_start3A_122, %dma_start3A_132, %dma_start3A_133] : memref<2x128x16xf32, #tpu.memory_space<vmem>> -> memref<1x128x16xf32, #tpu.memory_space<vmem>>
        %dma_start3A_135 = tpu.memref_squeeze %dma_start3A_134 : memref<1x128x16xf32, #tpu.memory_space<vmem>> -> memref<128x16xf32, #tpu.memory_space<vmem>>
        %dma_start3A_136 = arith.constant 0 : i32
        %dma_start3A_137 = tpu.memref_slice %arg2[%add3A_121, %dma_start3A_136] : memref<163840x16xf32, #tpu.memory_space<hbm>> -> memref<128x16xf32, #tpu.memory_space<hbm>>
        tpu.enqueue_dma source(%dma_start3A_137 : memref<128x16xf32, #tpu.memory_space<hbm>>) target(%dma_start3A_135 : memref<128x16xf32, #tpu.memory_space<vmem>>) target_semaphore(%dma_start3A_131 : memref<!tpu.dma_semaphore, #tpu.memory_space<semaphore_mem>>)
      } else {
      }
    }
    %scan3A_44 = arith.constant 20 : i32
    %barrier3A_45 = arith.constant 0 : index
    tpu.barrier barrier_id(%barrier3A_45)
    "tpu.region"() ({
      %run_scoped3A = tpu.sem_alloc : memref<!tpu.dma_semaphore, #tpu.memory_space<semaphore_mem>>
      %dma_start3A_46 = arith.constant 0 : i32
      %dma_start3A_47 = tpu.memref_slice %arg5[%arg0, %mul3A_2, %dma_start3A_46] : memref<2x10240x16xf32, #tpu.memory_space<hbm>> -> memref<1x640x16xf32, #tpu.memory_space<hbm>>
      %dma_start3A_48 = tpu.memref_squeeze %dma_start3A_47 : memref<1x640x16xf32, #tpu.memory_space<hbm>> -> memref<640x16xf32, #tpu.memory_space<hbm>>
      %dma_start3A_49 = arith.constant 0 : i32
      %dma_start3A_50 = tpu.memref_slice %arg8[%mul3A_2, %dma_start3A_49] : memref<10240x16xf32, #tpu.memory_space<vmem_shared>> -> memref<640x16xf32, #tpu.memory_space<vmem_shared>>
      tpu.enqueue_dma source(%dma_start3A_50 : memref<640x16xf32, #tpu.memory_space<vmem_shared>>) target(%dma_start3A_48 : memref<640x16xf32, #tpu.memory_space<hbm>>) target_semaphore(%run_scoped3A : memref<!tpu.dma_semaphore, #tpu.memory_space<semaphore_mem>>)
      %dma_wait3A = arith.constant 0 : i32
      %dma_wait3A_51 = tpu.memref_slice %arg5[%arg0, %mul3A_2, %dma_wait3A] : memref<2x10240x16xf32, #tpu.memory_space<hbm>> -> memref<1x640x16xf32, #tpu.memory_space<hbm>>
      %dma_wait3A_52 = tpu.memref_squeeze %dma_wait3A_51 : memref<1x640x16xf32, #tpu.memory_space<hbm>> -> memref<640x16xf32, #tpu.memory_space<hbm>>
      %dma_wait3A_53 = arith.constant 0 : i32
      %dma_wait3A_54 = tpu.memref_slice %arg8[%mul3A_2, %dma_wait3A_53] : memref<10240x16xf32, #tpu.memory_space<vmem_shared>> -> memref<640x16xf32, #tpu.memory_space<vmem_shared>>
      tpu.wait_dma2 semaphore(%run_scoped3A : memref<!tpu.dma_semaphore, #tpu.memory_space<semaphore_mem>>) src(%dma_wait3A_54 : memref<640x16xf32, #tpu.memory_space<vmem_shared>>) dst(%dma_wait3A_52 : memref<640x16xf32, #tpu.memory_space<hbm>>)
      tpu.yield
    }) : () -> ()
    return
  }
}

module attributes {stable_mosaic.version = 14 : i64} {
  func.func @_stats_body(%arg0: i32, %arg1: memref<16000x16xf32, #tpu.memory_space<vmem>>, %arg2: memref<16x64xf32, #tpu.memory_space<vmem>>, %arg3: memref<2x64xf32, #tpu.memory_space<vmem>>) attributes {dimension_semantics = [#tpu.dimension_semantics<arbitrary>], iteration_bounds = array<i64: 10>, scalar_prefetch = 0 : i64, scratch_operands = 0 : i64, tpu.core_type = #tpu.core_type<tc>, window_params = [{transform_indices = @transform_0, window_bounds = array<i64: 16000, 16>}, {pipeline_mode = #tpu.pipeline_mode<synchronous>, transform_indices = @transform_1, window_bounds = array<i64: 16, 64>}, {pipeline_mode = #tpu.pipeline_mode<synchronous>, transform_indices = @transform_2, window_bounds = array<i64: 2, 64>}]} {
    %get3A = arith.constant 0 : index
    %get3A_0 = arith.constant 0 : index
    %get3A_1 = vector.load %arg1[%get3A, %get3A_0] : memref<16000x16xf32, #tpu.memory_space<vmem>>, vector<16000x16xf32>
    %get3A_2 = arith.constant 0 : index
    %get3A_3 = arith.constant 0 : index
    %get3A_4 = vector.load %arg2[%get3A_2, %get3A_3] : memref<16x64xf32, #tpu.memory_space<vmem>>, vector<16x64xf32>
    %dot_general3A = arith.constant dense<0.000000e+00> : vector<16000x64xf32>
    %dot_general3A_5 = tpu.matmul %get3A_1, %get3A_4, %dot_general3A {dimension_numbers = #tpu.dot_dimension_numbers<[1], [0], [0], [1], [0, 0, 1, 1], [], []>, transpose_lhs_hint = false} : vector<16000x16xf32>, vector<16x64xf32>, vector<16000x64xf32> -> vector<16000x64xf32>
    %reduce_sum3A = arith.constant dense<0.000000e+00> : vector<64xf32>
    %reduce_sum3A_6 = vector.multi_reduction <add>, %dot_general3A_5, %reduce_sum3A [0] : vector<16000x64xf32> to vector<64xf32>
    %broadcast_in_dim3A = vector.shape_cast %reduce_sum3A_6 : vector<64xf32> to vector<1x64xf32>
    %mul3A = arith.mulf %dot_general3A_5, %dot_general3A_5 : vector<16000x64xf32>
    %reduce_sum3A_7 = arith.constant dense<0.000000e+00> : vector<64xf32>
    %reduce_sum3A_8 = vector.multi_reduction <add>, %mul3A, %reduce_sum3A_7 [0] : vector<16000x64xf32> to vector<64xf32>
    %broadcast_in_dim3A_9 = vector.shape_cast %reduce_sum3A_8 : vector<64xf32> to vector<1x64xf32>
    %concatenate3A = tpu.concatenate %broadcast_in_dim3A, %broadcast_in_dim3A_9 in 0 : vector<1x64xf32>, vector<1x64xf32> -> vector<2x64xf32>
    %eq3A = arith.constant 0 : i32
    %eq3A_10 = arith.cmpi eq, %arg0, %eq3A : i32
    %convert_element_type3A = arith.extui %eq3A_10 : i1 to i32
    %cond3A = arith.constant 0 : i32
    %cond3A_11 = arith.cmpi ne, %convert_element_type3A, %cond3A : i32
    scf.if %cond3A_11 {
      %broadcast_in_dim3A_17 = arith.constant 0.000000e+00 : f32
      %broadcast_in_dim3A_18 = vector.broadcast %broadcast_in_dim3A_17 : f32 to vector<2x64xf32>
      %swap3A_19 = arith.constant 0 : index
      %swap3A_20 = arith.constant 0 : index
      %swap3A_21 = vector.load %arg3[%swap3A_19, %swap3A_20] : memref<2x64xf32, #tpu.memory_space<vmem>>, vector<2x64xf32>
      tpu.vector_store %arg3[%swap3A_19, %swap3A_20], %broadcast_in_dim3A_18 {strides = array<i32>} : memref<2x64xf32, #tpu.memory_space<vmem>>, vector<2x64xf32>,
    } else {
    }
    %get3A_12 = arith.constant 0 : index
    %get3A_13 = arith.constant 0 : index
    %get3A_14 = vector.load %arg3[%get3A_12, %get3A_13] : memref<2x64xf32, #tpu.memory_space<vmem>>, vector<2x64xf32>
    %add3A = arith.addf %get3A_14, %concatenate3A : vector<2x64xf32>
    %swap3A = arith.constant 0 : index
    %swap3A_15 = arith.constant 0 : index
    %swap3A_16 = vector.load %arg3[%swap3A, %swap3A_15] : memref<2x64xf32, #tpu.memory_space<vmem>>, vector<2x64xf32>
    tpu.vector_store %arg3[%swap3A, %swap3A_15], %add3A {strides = array<i32>} : memref<2x64xf32, #tpu.memory_space<vmem>>, vector<2x64xf32>,
    return
  }
  func.func @transform_0(%arg0: i32) -> (i32, i32) {
    %c0_i32 = arith.constant 0 : i32
    %c0_i32_0 = arith.constant 0 : i32
    return %arg0, %c0_i32 : i32, i32
  }
  func.func @transform_1(%arg0: i32) -> (i32, i32) {
    %c0_i32 = arith.constant 0 : i32
    %c0_i32_0 = arith.constant 0 : i32
    %c0_i32_1 = arith.constant 0 : i32
    return %c0_i32, %c0_i32_0 : i32, i32
  }
  func.func @transform_2(%arg0: i32) -> (i32, i32) {
    %c0_i32 = arith.constant 0 : i32
    %c0_i32_0 = arith.constant 0 : i32
    %c0_i32_1 = arith.constant 0 : i32
    return %c0_i32, %c0_i32_0 : i32, i32
  }
}

module attributes {stable_mosaic.version = 14 : i64} {
  func.func @_msg_body(%arg0: i32, %arg1: memref<2x64xf32, #tpu.memory_space<vmem>>, %arg2: memref<4000x16xf32, #tpu.memory_space<vmem>>, %arg3: memref<4000x128xf32, #tpu.memory_space<vmem>>, %arg4: memref<16x64xf32, #tpu.memory_space<vmem>>, %arg5: memref<1x64xf32, #tpu.memory_space<vmem>>, %arg6: memref<1x64xf32, #tpu.memory_space<vmem>>, %arg7: memref<128x512xbf16, #tpu.memory_space<vmem>>, %arg8: memref<128x8xbf16, #tpu.memory_space<vmem>>, %arg9: memref<512x8xf32, #tpu.memory_space<vmem>>, %arg10: memref<4000x16xf32, #tpu.memory_space<vmem>>) attributes {dimension_semantics = [#tpu.dimension_semantics<arbitrary>], iteration_bounds = array<i64: 40>, scalar_prefetch = 0 : i64, scratch_operands = 0 : i64, tpu.core_type = #tpu.core_type<tc>, window_params = [{pipeline_mode = #tpu.pipeline_mode<synchronous>, transform_indices = @transform_0, window_bounds = array<i64: 2, 64>}, {transform_indices = @transform_1, window_bounds = array<i64: 4000, 16>}, {transform_indices = @transform_2, window_bounds = array<i64: 4000, 128>}, {pipeline_mode = #tpu.pipeline_mode<synchronous>, transform_indices = @transform_3, window_bounds = array<i64: 16, 64>}, {pipeline_mode = #tpu.pipeline_mode<synchronous>, transform_indices = @transform_4, window_bounds = array<i64: 1, 64>}, {pipeline_mode = #tpu.pipeline_mode<synchronous>, transform_indices = @transform_5, window_bounds = array<i64: 1, 64>}, {pipeline_mode = #tpu.pipeline_mode<synchronous>, transform_indices = @transform_6, window_bounds = array<i64: 128, 512>}, {pipeline_mode = #tpu.pipeline_mode<synchronous>, transform_indices = @transform_7, window_bounds = array<i64: 128, 8>}, {pipeline_mode = #tpu.pipeline_mode<synchronous>, transform_indices = @transform_8, window_bounds = array<i64: 512, 8>}, {transform_indices = @transform_9, window_bounds = array<i64: 4000, 16>}]} {
    %get3A = arith.constant 0 : index
    %get3A_0 = arith.constant 0 : index
    %get3A_1 = vector.load %arg1[%get3A, %get3A_0] : memref<2x64xf32, #tpu.memory_space<vmem>>, vector<2x64xf32>
    %slice3A = vector.extract_strided_slice %get3A_1 {offsets = [0, 0], sizes = [1, 64], strides = [1, 1]} : vector<2x64xf32> to vector<1x64xf32>
    %mul3A = arith.constant 6.250000e-06 : f32
    %mul3A_2 = vector.broadcast %mul3A : f32 to vector<1x64xf32>
    %mul3A_3 = arith.mulf %slice3A, %mul3A_2 : vector<1x64xf32>
    %slice3A_4 = vector.extract_strided_slice %get3A_1 {offsets = [1, 0], sizes = [1, 64], strides = [1, 1]} : vector<2x64xf32> to vector<1x64xf32>
    %mul3A_5 = arith.constant 6.250000e-06 : f32
    %mul3A_6 = vector.broadcast %mul3A_5 : f32 to vector<1x64xf32>
    %mul3A_7 = arith.mulf %slice3A_4, %mul3A_6 : vector<1x64xf32>
    %mul3A_8 = arith.mulf %mul3A_3, %mul3A_3 : vector<1x64xf32>
    %sub3A = arith.subf %mul3A_7, %mul3A_8 : vector<1x64xf32>
    %add3A = arith.constant 9.99999974E-6 : f32
    %add3A_9 = vector.broadcast %add3A : f32 to vector<1x64xf32>
    %add3A_10 = arith.addf %sub3A, %add3A_9 : vector<1x64xf32>
    %rsqrt3A = math.rsqrt %add3A_10 : vector<1x64xf32>
    %get3A_11 = arith.constant 0 : index
    %get3A_12 = arith.constant 0 : index
    %get3A_13 = vector.load %arg5[%get3A_11, %get3A_12] : memref<1x64xf32, #tpu.memory_space<vmem>>, vector<1x64xf32>
    %mul3A_14 = arith.mulf %get3A_13, %rsqrt3A : vector<1x64xf32>
    %get3A_15 = arith.constant 0 : index
    %get3A_16 = arith.constant 0 : index
    %get3A_17 = vector.load %arg6[%get3A_15, %get3A_16] : memref<1x64xf32, #tpu.memory_space<vmem>>, vector<1x64xf32>
    %mul3A_18 = arith.mulf %mul3A_3, %mul3A_14 : vector<1x64xf32>
    %sub3A_19 = arith.subf %get3A_17, %mul3A_18 : vector<1x64xf32>
    %get3A_20 = arith.constant 0 : index
    %get3A_21 = arith.constant 0 : index
    %get3A_22 = vector.load %arg2[%get3A_20, %get3A_21] : memref<4000x16xf32, #tpu.memory_space<vmem>>, vector<4000x16xf32>
    %get3A_23 = arith.constant 0 : index
    %get3A_24 = arith.constant 0 : index
    %get3A_25 = vector.load %arg4[%get3A_23, %get3A_24] : memref<16x64xf32, #tpu.memory_space<vmem>>, vector<16x64xf32>
    %dot_general3A = arith.constant dense<0.000000e+00> : vector<4000x64xf32>
    %dot_general3A_26 = tpu.matmul %get3A_22, %get3A_25, %dot_general3A {dimension_numbers = #tpu.dot_dimension_numbers<[1], [0], [0], [1], [0, 0, 1, 1], [], []>, transpose_lhs_hint = false} : vector<4000x16xf32>, vector<16x64xf32>, vector<4000x64xf32> -> vector<4000x64xf32>
    %mul3A_27 = vector.broadcast %mul3A_14 : vector<1x64xf32> to vector<4000x64xf32>
    %mul3A_28 = arith.mulf %dot_general3A_26, %mul3A_27 : vector<4000x64xf32>
    %add3A_29 = vector.broadcast %sub3A_19 : vector<1x64xf32> to vector<4000x64xf32>
    %add3A_30 = arith.addf %mul3A_28, %add3A_29 : vector<4000x64xf32>
    %max3A = arith.constant 0.000000e+00 : f32
    %max3A_31 = vector.broadcast %max3A : f32 to vector<4000x64xf32>
    %max3A_32 = arith.maximumf %add3A_30, %max3A_31 : vector<4000x64xf32>
    %get3A_33 = arith.constant 0 : index
    %get3A_34 = arith.constant 0 : index
    %get3A_35 = vector.load %arg3[%get3A_33, %get3A_34] : memref<4000x128xf32, #tpu.memory_space<vmem>>, vector<4000x128xf32>
    %convert_element_type3A = arith.truncf %get3A_35 : vector<4000x128xf32> to vector<4000x128xbf16>
    %get3A_36 = arith.constant 0 : index
    %get3A_37 = arith.constant 0 : index
    %get3A_38 = vector.load %arg7[%get3A_36, %get3A_37] : memref<128x512xbf16, #tpu.memory_space<vmem>>, vector<128x512xbf16>
    %dot_general3A_39 = arith.constant dense<0.000000e+00> : vector<4000x512xf32>
    %dot_general3A_40 = tpu.matmul %convert_element_type3A, %get3A_38, %dot_general3A_39 {dimension_numbers = #tpu.dot_dimension_numbers<[1], [0], [0], [1], [0, 0, 1, 1], [], []>, transpose_lhs_hint = false} : vector<4000x128xbf16>, vector<128x512xbf16>, vector<4000x512xf32> -> vector<4000x512xf32>
    %concatenate3A = tpu.concatenate %max3A_32, %max3A_32, %max3A_32, %max3A_32, %max3A_32, %max3A_32, %max3A_32, %max3A_32 in 1 : vector<4000x64xf32>, vector<4000x64xf32>, vector<4000x64xf32>, vector<4000x64xf32>, vector<4000x64xf32>, vector<4000x64xf32>, vector<4000x64xf32>, vector<4000x64xf32> -> vector<4000x512xf32>
    %mul3A_41 = arith.mulf %concatenate3A, %dot_general3A_40 : vector<4000x512xf32>
    %get3A_42 = arith.constant 0 : index
    %get3A_43 = arith.constant 0 : index
    %get3A_44 = vector.load %arg9[%get3A_42, %get3A_43] : memref<512x8xf32, #tpu.memory_space<vmem>>, vector<512x8xf32>
    %dot_general3A_45 = arith.constant dense<0.000000e+00> : vector<4000x8xf32>
    %dot_general3A_46 = tpu.matmul %mul3A_41, %get3A_44, %dot_general3A_45 {dimension_numbers = #tpu.dot_dimension_numbers<[1], [0], [0], [1], [0, 0, 1, 1], [], []>, transpose_lhs_hint = false} : vector<4000x512xf32>, vector<512x8xf32>, vector<4000x8xf32> -> vector<4000x8xf32>
    %get3A_47 = arith.constant 0 : index
    %get3A_48 = arith.constant 0 : index
    %get3A_49 = vector.load %arg8[%get3A_47, %get3A_48] : memref<128x8xbf16, #tpu.memory_space<vmem>>, vector<128x8xbf16>
    %dot_general3A_50 = arith.constant dense<0.000000e+00> : vector<4000x8xf32>
    %dot_general3A_51 = tpu.matmul %convert_element_type3A, %get3A_49, %dot_general3A_50 {dimension_numbers = #tpu.dot_dimension_numbers<[1], [0], [0], [1], [0, 0, 1, 1], [], []>, transpose_lhs_hint = false} : vector<4000x128xbf16>, vector<128x8xbf16>, vector<4000x8xf32> -> vector<4000x8xf32>
    %add3A_52 = arith.addf %dot_general3A_46, %dot_general3A_51 : vector<4000x8xf32>
    %broadcast_in_dim3A = arith.constant 0.000000e+00 : f32
    %broadcast_in_dim3A_53 = vector.broadcast %broadcast_in_dim3A : f32 to vector<4000x8xf32>
    %concatenate3A_54 = tpu.concatenate %add3A_52, %broadcast_in_dim3A_53 in 1 : vector<4000x8xf32>, vector<4000x8xf32> -> vector<4000x16xf32>
    %swap3A = arith.constant 0 : index
    %swap3A_55 = arith.constant 0 : index
    %swap3A_56 = vector.load %arg10[%swap3A, %swap3A_55] : memref<4000x16xf32, #tpu.memory_space<vmem>>, vector<4000x16xf32>
    tpu.vector_store %arg10[%swap3A, %swap3A_55], %concatenate3A_54 {strides = array<i32>} : memref<4000x16xf32, #tpu.memory_space<vmem>>, vector<4000x16xf32>,
    return
  }
  func.func @transform_0(%arg0: i32) -> (i32, i32) {
    %c0_i32 = arith.constant 0 : i32
    %c0_i32_0 = arith.constant 0 : i32
    %c0_i32_1 = arith.constant 0 : i32
    return %c0_i32, %c0_i32_0 : i32, i32
  }
  func.func @transform_1(%arg0: i32) -> (i32, i32) {
    %c0_i32 = arith.constant 0 : i32
    %c0_i32_0 = arith.constant 0 : i32
    return %arg0, %c0_i32 : i32, i32
  }
  func.func @transform_2(%arg0: i32) -> (i32, i32) {
    %c0_i32 = arith.constant 0 : i32
    %c0_i32_0 = arith.constant 0 : i32
    return %arg0, %c0_i32 : i32, i32
  }
  func.func @transform_3(%arg0: i32) -> (i32, i32) {
    %c0_i32 = arith.constant 0 : i32
    %c0_i32_0 = arith.constant 0 : i32
    %c0_i32_1 = arith.constant 0 : i32
    return %c0_i32, %c0_i32_0 : i32, i32
  }
  func.func @transform_4(%arg0: i32) -> (i32, i32) {
    %c0_i32 = arith.constant 0 : i32
    %c0_i32_0 = arith.constant 0 : i32
    %c0_i32_1 = arith.constant 0 : i32
    return %c0_i32, %c0_i32_0 : i32, i32
  }
  func.func @transform_5(%arg0: i32) -> (i32, i32) {
    %c0_i32 = arith.constant 0 : i32
    %c0_i32_0 = arith.constant 0 : i32
    %c0_i32_1 = arith.constant 0 : i32
    return %c0_i32, %c0_i32_0 : i32, i32
  }
  func.func @transform_6(%arg0: i32) -> (i32, i32) {
    %c0_i32 = arith.constant 0 : i32
    %c0_i32_0 = arith.constant 0 : i32
    %c0_i32_1 = arith.constant 0 : i32
    return %c0_i32, %c0_i32_0 : i32, i32
  }
  func.func @transform_7(%arg0: i32) -> (i32, i32) {
    %c0_i32 = arith.constant 0 : i32
    %c0_i32_0 = arith.constant 0 : i32
    %c0_i32_1 = arith.constant 0 : i32
    return %c0_i32, %c0_i32_0 : i32, i32
  }
  func.func @transform_8(%arg0: i32) -> (i32, i32) {
    %c0_i32 = arith.constant 0 : i32
    %c0_i32_0 = arith.constant 0 : i32
    %c0_i32_1 = arith.constant 0 : i32
    return %c0_i32, %c0_i32_0 : i32, i32
  }
  func.func @transform_9(%arg0: i32) -> (i32, i32) {
    %c0_i32 = arith.constant 0 : i32
    %c0_i32_0 = arith.constant 0 : i32
    return %arg0, %c0_i32 : i32, i32
  }
}

module attributes {stable_mosaic.version = 14 : i64} {
  func.func @_final_body(%arg0: memref<2x10240x16xf32, #tpu.memory_space<vmem>>, %arg1: memref<10240x128xf32, #tpu.memory_space<vmem>>, %arg2: memref<128x8xf32, #tpu.memory_space<vmem>>, %arg3: memref<1x8xf32, #tpu.memory_space<vmem>>, %arg4: memref<1x10240xi32, #tpu.memory_space<vmem>>, %arg5: memref<64x8xf32, #tpu.memory_space<vmem>>) attributes {dimension_semantics = [], scalar_prefetch = 0 : i64, scratch_operands = 0 : i64, tpu.core_type = #tpu.core_type<tc>} {
    %get3A = arith.constant 0 : index
    %get3A_0 = arith.constant 0 : index
    %get3A_1 = arith.constant 0 : index
    %get3A_2 = vector.load %arg0[%get3A, %get3A_0, %get3A_1] : memref<2x10240x16xf32, #tpu.memory_space<vmem>>, vector<1x10240x16xf32>
    %get3A_3 = vector.shape_cast %get3A_2 : vector<1x10240x16xf32> to vector<10240x16xf32>
    %slice3A = vector.extract_strided_slice %get3A_3 {offsets = [0, 0], sizes = [10240, 8], strides = [1, 1]} : vector<10240x16xf32> to vector<10240x8xf32>
    %get3A_4 = arith.constant 1 : index
    %get3A_5 = arith.constant 0 : index
    %get3A_6 = arith.constant 0 : index
    %get3A_7 = vector.load %arg0[%get3A_4, %get3A_5, %get3A_6] : memref<2x10240x16xf32, #tpu.memory_space<vmem>>, vector<1x10240x16xf32>
    %get3A_8 = vector.shape_cast %get3A_7 : vector<1x10240x16xf32> to vector<10240x16xf32>
    %slice3A_9 = vector.extract_strided_slice %get3A_8 {offsets = [0, 0], sizes = [10240, 8], strides = [1, 1]} : vector<10240x16xf32> to vector<10240x8xf32>
    %add3A = arith.addf %slice3A, %slice3A_9 : vector<10240x8xf32>
    %get3A_10 = arith.constant 0 : index
    %get3A_11 = arith.constant 0 : index
    %get3A_12 = vector.load %arg1[%get3A_10, %get3A_11] : memref<10240x128xf32, #tpu.memory_space<vmem>>, vector<10240x128xf32>
    %get3A_13 = arith.constant 0 : index
    %get3A_14 = arith.constant 0 : index
    %get3A_15 = vector.load %arg2[%get3A_13, %get3A_14] : memref<128x8xf32, #tpu.memory_space<vmem>>, vector<128x8xf32>
    %dot_general3A = arith.constant dense<0.000000e+00> : vector<10240x8xf32>
    %dot_general3A_16 = tpu.matmul %get3A_12, %get3A_15, %dot_general3A {dimension_numbers = #tpu.dot_dimension_numbers<[1], [0], [0], [1], [0, 0, 1, 1], [], []>, transpose_lhs_hint = false} : vector<10240x128xf32>, vector<128x8xf32>, vector<10240x8xf32> -> vector<10240x8xf32>
    %add3A_17 = arith.addf %add3A, %dot_general3A_16 : vector<10240x8xf32>
    %get3A_18 = arith.constant 0 : index
    %get3A_19 = arith.constant 0 : index
    %get3A_20 = vector.load %arg3[%get3A_18, %get3A_19] : memref<1x8xf32, #tpu.memory_space<vmem>>, vector<1x8xf32>
    %add3A_21 = vector.broadcast %get3A_20 : vector<1x8xf32> to vector<10240x8xf32>
    %add3A_22 = arith.addf %add3A_17, %add3A_21 : vector<10240x8xf32>
    %get3A_23 = arith.constant 0 : index
    %get3A_24 = arith.constant 0 : index
    %get3A_25 = vector.load %arg4[%get3A_23, %get3A_24] : memref<1x10240xi32, #tpu.memory_space<vmem>>, vector<1x10240xi32>
    %iota3A = tpu.iota {dimensions = array<i32: 0>} : vector<64x10240xi32>
    %eq3A = vector.broadcast %get3A_25 : vector<1x10240xi32> to vector<64x10240xi32>
    %eq3A_26 = arith.cmpi eq, %iota3A, %eq3A : vector<64x10240xi32>
    %convert_element_type3A = arith.extui %eq3A_26 : vector<64x10240xi1> to vector<64x10240xi32>
    %convert_element_type3A_27 = arith.sitofp %convert_element_type3A : vector<64x10240xi32> to vector<64x10240xf32>
    %dot_general3A_28 = arith.constant dense<0.000000e+00> : vector<64x8xf32>
    %dot_general3A_29 = tpu.matmul %convert_element_type3A_27, %add3A_22, %dot_general3A_28 {dimension_numbers = #tpu.dot_dimension_numbers<[1], [0], [0], [1], [0, 0, 1, 1], [], []>, transpose_lhs_hint = false} : vector<64x10240xf32>, vector<10240x8xf32>, vector<64x8xf32> -> vector<64x8xf32>
    %reduce_sum3A = arith.constant dense<0.000000e+00> : vector<64xf32>
    %reduce_sum3A_30 = vector.multi_reduction <add>, %convert_element_type3A_27, %reduce_sum3A [1] : vector<64x10240xf32> to vector<64xf32>
    %broadcast_in_dim3A = vector.shape_cast %reduce_sum3A_30 : vector<64xf32> to vector<64x1xf32>
    %max3A = arith.constant 1.000000e+00 : f32
    %max3A_31 = vector.broadcast %max3A : f32 to vector<64x1xf32>
    %max3A_32 = arith.maximumf %broadcast_in_dim3A, %max3A_31 : vector<64x1xf32>
    %div3A = vector.broadcast %max3A_32 : vector<64x1xf32> to vector<64x8xf32>
    %div3A_33 = arith.divf %dot_general3A_29, %div3A : vector<64x8xf32>
    %swap3A = arith.constant 0 : index
    %swap3A_34 = arith.constant 0 : index
    %swap3A_35 = vector.load %arg5[%swap3A, %swap3A_34] : memref<64x8xf32, #tpu.memory_space<vmem>>, vector<64x8xf32>
    tpu.vector_store %arg5[%swap3A, %swap3A_34], %div3A_33 {strides = array<i32>} : memref<64x8xf32, #tpu.memory_space<vmem>>, vector<64x8xf32>,
    return
  }
}

</mosaic_0001>

<sc_bundles>
// kernel: kernel.10.cloned.1.call-start
scs
__scs_entry_jumppad:
0x0: {  	(pc) =	sbr.rel $0x88, $3  }
0x1: {  	(tag) =	ssettag $0x0;
	lr =	simm.s32 $0x1  }
0x2: {  	[smem:$0x3F96] =	sst lr;
	_ =	strace $0xD0000000  }
0x3: {  	_ = 	snop  }
0x4: {  	_ = 	snop  }
0x5: {  	_ = 	snop  }
0x6: {  	_ = 	snop  }
0x7: {  	_ = 	snop  }
__scs_overlays_trampoline_lowered:
0x8: {  	[smem:$0x3FA5] =	sst s0  }
0x9: {  	[smem:$0x3FA6] =	sst s1  }
0xa: {  	[smem:$0x3FA7] =	sst s2  }
0xb: {  	[smem:$0x3FA8] =	sst s3  }
0xc: {  	[smem:$0x3FA9] =	sst s4  }
0xd: {  	[smem:$0x3FAA] =	sst s5  }
0xe: {  	[smem:$0x3FAB] =	sst s6  }
0xf: {  	[smem:$0x3FAC] =	sst s7  }
0x10: {  	[smem:$0x3FAD] =	sst s8  }
0x11: {  	[smem:$0x3FAE] =	sst s9;
	s0 =	simm.s32 @!p0 $0x0  }
0x12: {  	s1 =	sld [smem:$0x3F94];
	s0 =	simm.s32 @p0 $0x1  }
0x13: {  	[smem:$0x3FAF] =	sst s0;
	s0 =	simm.s32 @!p1 $0x0  }
0x14: {  	s2 =	sld [smem:$0x3F93];
	s0 =	simm.s32 @p1 $0x1  }
0x15: {  	[smem:$0x3FB0] =	sst s0;
	s0 =	simm.s32 @!p2 $0x0  }
0x16: {  	s3 =	sld [smem:$0x3FDB];
	s0 =	simm.s32 @p2 $0x1  }
0x17: {  	s4 =	simm.s32 $0x1BF5;
	[smem:$0x3FB2] =	sst s0  }
0x18: {  	s0 =	sld [smem:$0x3F95];
	_ =	swait.ge [sflag:s4], $0x0  }
0x19: {  	s7 =	sld [smem:$0x3F96]  }
0x1a: {  	s8 =	sadd.s32 $0xFFFFE003, lr  }
0x1b: {  	s9 =	sadd.s32 $0xFFFFFEF7, lr;
	s5 =	simm.s32 $0xFFFFFFFF;
	p2 =	slt.u32 s8, $0xFFFFF086  }
0x1c: {  	p1 =	slt.u32 s9, $0xF7A;
	s5 =	simm.s32 @!p2 $0x0  }
0x1d: {  	s5 =	simm.s32 @p1 $0x1;
	p0 =	seq.s32 s7, s2  }
0x1e: {  	s7 =	smul.u32 @!p0 $0xF7A, s2;
	p2 =	seq.s32 @!p0 s5, $0x0  }
0x1f: {  	s9 =	smul.u32 $0xF7A, s1;
	s8 =	simm.s32 @!p0 $0x1BF5;
	p2 =	por !p2, p0  }
0x20: {  	[sflag:s8] =	ssyncset.s32 @!p0 $0xFFFFF086;
	s6 =	sadd.s32 @!p0 s3, s7;
	s7 =	simm.s32 @!p0 $0x108  }
0x21: {  	s3 =	sadd.s32 s3, s9;
	s6 =	sadd.s32 @!p0 $0x88, s6;
	s7 =	simm.s32 @p2 $0x1082  }
0x22: {  	[simem:s7], [sflag:s8] =	dma.local @!p0 [hbm:s6], $0xF7A  }
0x23: {  	s9 =	sor.u32 $0xD0000000, s2;
	s6 =	simm.s32 $0x108;
	_ =	swait.ge @!p0 [sflag:s8], $0x0  }
0x24: {  	s3 =	sadd.s32 $0x88, s3;
	s6 =	simm.s32 @!p1 $0x1082;
	[sflag:s4] =	ssyncset.s32 $0xFFFFF086  }
0x25: {  	[simem:s6], [sflag:s4] =	dma.local [hbm:s3], $0xF7A  }
0x26: {  	[smem:$0x3F96] =	sst s1;
	(tag) =	ssettag s2;
	_ =	strace s9  }
0x27: {  	s1 =	sld [smem:$0x3FA6]  }
0x28: {  	s2 =	sld [smem:$0x3FA7]  }
0x29: {  	s4 =	sld [smem:$0x3FA9]  }
0x2a: {  	p0 =	seq.s32 s5, $0x0;
	s5 =	sld [smem:$0x3FAA]  }
0x2b: {  	s6 =	sld [smem:$0x3FAB]  }
0x2c: {  	s7 =	sld [smem:$0x3FAC]  }
0x2d: {  	s3 =	simm.s32 $0x108;
	s8 =	sld [smem:$0x3FAD]  }
0x2e: {  	s3 =	simm.s32 @!p0 $0x1082;
	s9 =	sld [smem:$0x3FAE]  }
0x2f: {  	lr =	sadd.s32 s0, s3;
	s0 =	sld [smem:$0x3FA5]  }
0x30: {  	s3 =	sld [smem:$0x3FA8]  }
0x31: {  	[smem:$0x3FB1] =	sst s10  }
0x32: {  	s10 =	sld [smem:$0x3FAF];
	_ =	sdelay $0x3  }
0x33: {  	p0 =	seq.s32 s10, $0x1;
	s10 =	sld [smem:$0x3FB1];
	_ =	sdelay $0x3  }
0x34: {  	[smem:$0x3FB1] =	sst s10  }
0x35: {  	s10 =	sld [smem:$0x3FB0];
	_ =	sdelay $0x3  }
0x36: {  	p1 =	seq.s32 s10, $0x1;
	s10 =	sld [smem:$0x3FB1];
	_ =	sdelay $0x3  }
0x37: {  	[smem:$0x3FB1] =	sst s10  }
0x38: {  	s10 =	sld [smem:$0x3FB2]  }
0x39: {  	_ = 	snop;
	(pc) =	sbr.ind lr, $3  }
0x3a: {  	_ = 	snop  }
0x3b: {  	_ = 	snop  }
0x3c: {  	p2 =	seq.s32 s10, $0x1;
	s10 =	sld [smem:$0x3FB1]  }
0x3d: {  	_ =	shalt  }
0x3e: {  	_ =	shalt  }
0x3f: {  	_ =	shalt  }
0x40: {  	_ =	shalt  }
0x41: {  	_ =	shalt  }
0x42: {  	_ =	shalt  }
0x43: {  	_ =	shalt  }
0x44: {  	_ =	shalt  }
0x45: {  	_ =	shalt  }
0x46: {  	_ =	shalt  }
0x47: {  	_ =	shalt  }
0x48: {  	_ =	shalt  }
0x49: {  	_ =	shalt  }
0x4a: {  	_ =	shalt  }
0x4b: {  	_ =	shalt  }
0x4c: {  	_ =	shalt  }
0x4d: {  	_ =	shalt  }
0x4e: {  	_ =	shalt  }
0x4f: {  	_ =	shalt  }
0x50: {  	_ =	shalt  }
0x51: {  	_ =	shalt  }
0x52: {  	_ =	shalt  }
0x53: {  	_ =	shalt  }
0x54: {  	_ =	shalt  }
0x55: {  	_ =	shalt  }
0x56: {  	_ =	shalt  }
0x57: {  	_ =	shalt  }
0x58: {  	_ =	shalt  }
0x59: {  	_ =	shalt  }
0x5a: {  	_ =	shalt  }
0x5b: {  	_ =	shalt  }
0x5c: {  	_ =	shalt  }
0x5d: {  	_ =	shalt  }
0x5e: {  	_ =	shalt  }
0x5f: {  	_ =	shalt  }
0x60: {  	_ =	shalt  }
0x61: {  	_ =	shalt  }
0x62: {  	_ =	shalt  }
0x63: {  	_ =	shalt  }
0x64: {  	_ =	shalt  }
0x65: {  	_ =	shalt  }
0x66: {  	_ =	shalt  }
0x67: {  	_ =	shalt  }
0x68: {  	_ =	shalt  }
0x69: {  	_ =	shalt  }
0x6a: {  	_ =	shalt  }
0x6b: {  	_ =	shalt  }
0x6c: {  	_ =	shalt  }
0x6d: {  	_ =	shalt  }
0x6e: {  	_ =	shalt  }
0x6f: {  	_ =	shalt  }
0x70: {  	_ =	shalt  }
0x71: {  	_ =	shalt  }
0x72: {  	_ =	shalt  }
0x73: {  	_ =	shalt  }
0x74: {  	_ =	shalt  }
0x75: {  	_ =	shalt  }
0x76: {  	_ =	shalt  }
0x77: {  	_ =	shalt  }
0x78: {  	_ =	shalt  }
0x79: {  	_ =	shalt  }
0x7a: {  	_ =	shalt  }
0x7b: {  	_ =	shalt  }
0x7c: {  	_ =	shalt  }
0x7d: {  	_ =	shalt  }
0x7e: {  	_ =	shalt  }
0x7f: {  	_ =	shalt  }
0x80: {  	_ =	shalt  }
0x81: {  	_ =	shalt  }
0x82: {  	_ =	shalt  }
0x83: {  	_ =	shalt  }
0x84: {  	_ =	shalt  }
0x85: {  	_ =	shalt  }
0x86: {  	_ =	shalt  }
0x87: {  	_ =	shalt  }
.Lfunc_end0:
.L_simem_size_0:
called_computation.1_lowered:
.L_overlay_start_0:
0x88: {  	s2 =	sld [smem:$0x3FD9]  }
0x89: {  	s3 =	sld [smem:$0x3FFE];
	_ =	sdelay $0x1  }
0x8a: {  	s1 =	srdreg.scid  }
0x8b: {  	s0 =	sand.u32 $0x1, s1  }
0x8c: {  	s16 =	sshll.u32 s0, $0xA;
	s2 =	sadd.s32 s3, s2  }
0x8d: {  	s2 =	sadd.s32 s2, s16  }
0x8e: {  	[smem:$0x3FBD] =	sst s2  }
0x8f: {  	_ = 	snop  }
0x90: {  	(tm) =	ssettm $0x1  }
0x91: {  	s17 =	sld [smem:$0x3FFB];
	_ =	sdelay $0x3  }
0x92: {  	_ =	strace s17  }
0x93: {  	s2 =	sld [smem:$0x3FFC];
	_ =	sdelay $0x3  }
0x94: {  	_ =	strace s2  }
0x95: {  	s2 =	sld [smem:$0x3FFD];
	_ =	sdelay $0x3  }
0x96: {  	_ =	strace s2  }
0x97: {  	_ =	strace $0x8FFFFFFF  }
0x98: {  	s18 =	sld [smem:$0x3FDB];
	_ =	sdelay $0x1  }
0x99: {  	s19 =	simm.s32 $_scs_section_size  }
0x9a: {  	s4 =	simm.s32 $_size__tile_overlayer_lowered;
	s5 =	simm.s32 $_tile_overlayer_lowered  }
0x9b: {  	s22 =	simm.s32 $0x1BFF;
	s21 =	sshll.u32 s5, $0x1;
	s2 =	sadd.s32 s19, s18  }
0x9c: {  	s6 =	simm.s32 $0x0;
	s20 =	sshll.u32 s4, $0x1;
	s4 =	sadd.s32 s21, s2  }
0x9d: {  	[timem:s6], [sflag:s22] =	dma.local [hbm:s4], s20  }
0x9e: {  	_ =	swait.ge [sflag:s22], s20  }
0x9f: {  	s3 =	ssub.s32 $0x0, s20;
	[sflag:s22] =	ssyncset.done $0x0  }
0xa0: {  	[sflag:s22] =	ssyncadd.s32 s3;
	_ =	sdelay $0x1  }
0xa1: {  	s23 =	simm.s32 $0x1B8B  }
0xa2: {  	_ =	swait.ge [sflag:s23], $0x1  }
0xa3: {  	[sflag:s23] =	ssyncset.done $0x0  }
0xa4: {  	s25 =	simm.s32 $0x1B8E;
	s24 =	sld [smem:$0x3FFE];
	[sflag:s23] =	ssyncadd.s32 $0xFFFFFFFF  }
0xa5: {  	s26 =	simm.s32 $execute0_lowered;
	[smem:$0x3FD2] =	sst s25  }
0xa6: {  	s4 =	sshll.u32 s26, $0x1;
	_ =	strace $0x80000049;
	[dreg:$0x1] =	wrdreg $0xFFFFFFFF  }
0xa7: {  	s28 =	simm.s32 $_size_execute0_lowered;
	s2 =	sadd.s32 s2, s4;
	[dreg:$0x0] =	wrdreg $0x0  }
0xa8: {  	s4 =	sshll.u32 s28, $0x1;
	[dreg:$0x2] =	wrdreg s2  }
0xa9: {  	[dreg:$0x3] =	wrdreg s4  }
0xaa: {  	[dreg:$0x4] =	wrdreg $0xC0  }
0xab: {  	_ =	task [dreg:s6], $0x5FFFF  }
0xac: {  	[dreg:$0x1] =	wrdreg $0xFFFFFFFF  }
0xad: {  	[dreg:$0x0] =	wrdreg $0x60  }
0xae: {  	[dreg:$0x2] =	wrdreg s24  }
0xaf: {  	[dreg:$0x3] =	wrdreg $0x24000  }
0xb0: {  	[dreg:$0x4] =	wrdreg $0x9  }
0xb1: {  	_ =	task.clear_ibuf [dreg:s6], $0x5FFFF;
	_ =	strace $0x90000049  }
0xb2: {  	s29 =	simm.s32 $0x9;
	_ =	strace $0x8000004B  }
0xb3: {  	_ =	swait.ge [sflag:s29], $0x1  }
0xb4: {  	[sflag:s29] =	ssyncadd.s32 $0xFFFFFFFF  }
0xb5: {  	_ =	strace $0x9000004B  }
0xb6: {  	_ =	sfence  }
0xb7: {  	s30 =	sld [smem:$0x0];
	_ =	sdelay $0x2  }
0xb8: {  	s31 =	sshll.u32 s1, $0xD;
	s1 =	sshrl.u32 s1, $0x2  }
0xb9: {  	s3 =	sand.u32 $0x4000, s31;
	s1 =	sadd.s32 s1, s30  }
0xba: {  	s0 =	sor.u32 s3, s0;
	s1 =	sshll.u32 s1, $0x11  }
0xbb: {  	s0 =	sor.u32 s1, s0  }
0xbc: {  	s0 =	sadd.s32 $0x8F2B, s0  }
0xbd: {  	[sflag:s0] =	ssyncadd.remote.s32 $0x1  }
0xbe: {  	_ =	sfence.sel $0xFFFF  }
0xbf: {  	[dreg:$0x0] =	wrdreg $0xFFFFFFFF;
	(pc) =	sbr.abs _section_cstart, $3  }
0xc0: {  	[dreg:$0x1] =	wrdreg $0xFFFFFFFF  }
0xc1: {  	_ =	task.clear_ibuf [dreg:s6], $0x2FFFF;
	_ =	strace $0x9FFFFFFF  }
0xc2: {  	(tm) =	ssettm $0x7FFFFFFF  }
0xc3: {  	_ =	shalt  }
tec
execute0_lowered:
.L_overlay_start_1:
0x0: {  	(tag) =	ssettag $0x1  }
0x1: {  	s1 =	srdreg.scid;
	s4 =	rddreg [dreg:$0x0]  }
0x2: {  	s0 =	stileid.u32;
	s2 =	rddreg [dreg:$0x1];
	s3 =	simm.s32 $0x0  }
0x3: {  	s18 =	simm.s32 $0x1;
	s10 =	sand.u32 $0x1, s1;
	s11 =	smul.u32 $0x2800, s0  }
0x4: {  	s23 =	sshll.u32 s0, $0x1;
	s1 =	rddreg [dreg:$0x2];
	s16 =	smul.u32 $0x28000, s0  }
0x5: {  	[smem:$0x7FF] =	sst s3;
	s13 =	sadd.s32 $0x2600, s4;
	s6 =	smul.u32 $0x28000, s10  }
0x6: {  	s26 =	sshll.u32 s0, $0x6;
	s19 =	sor.u32 s10, s23;
	s17 =	smul.u32 $0x14000, s10  }
0x7: {  	_ =	strace $0x8000004A;
	s8 =	ssub.s32 $0x2, s10;
	s28 =	smul.u32 $0x1400, s10  }
0x8: {  	s5 =	smul.u32 $0x1400, s19;
	s24 =	sshrl.u32 s11, $0x3;
	s9 =	sshrl.u32 s8, $0x1  }
0x9: {  	s25 =	smul.u32 $0x2800, s19;
	s15 =	sadd.s32 s11, s2;
	p0 =	seq.s32 s19, $0x1F  }
0xa: {  	s19 =	simm.s32 $0x0;
	s6 =	sadd.s32 s11, s6;
	s14 =	ssub.s32 s8, s9  }
0xb: {  	s16 =	sadd.s32 s17, s16;
	s11 =	sadd.s32 s28, s11;
	s17 =	simm.s32 $0x1C00  }
0xc: {  	s5 =	sshrl.u32 s5, $0x3;
	s6 =	sshrl.u32 s6, $0x3;
	s10 =	smax.u32 s14, $0x1  }
0xd: {  	s29 =	sor.u32 $0x1000, s16;
	s16 =	sor.u32 $0x1800, s16;
	s14 =	sshrl.u32 s15, $0x3  }
0xe: {  	s15 =	simm.s32 $0x3;
	s7 =	sadd.s32 s5, s4;
	s5 =	sadd.s32 s24, s4  }
0xf: {  	s12 =	sadd.s32 s6, s4;
	s6 =	sor.u32 $0x1C03, s26;
	s30 =	sshrl.u32 s29, $0x3  }
0x10: {  	s31 =	sshrl.u32 s16, $0x3;
	s16 =	simm.s32 $0x1400;
	s4 =	sadd.s32 $0x52600, s5  }
0x11: {  	s5 =	sadd.s32 s13, s25;
	s7 =	sadd.s32 $0x4F8600, s7;
	s9 =	sadd.s32 $0x57600, s12  }
0x12: {  	s12 =	sadd.s32 s30, s13;
	s13 =	sadd.s32 s31, s13;
	s8 =	sadd.s32 $0x100, s5  }
.LBB2_1:
0x13: {  	[spmem:s14], [sflag:s6] =	dma.local [hbm:s4], $0x500  }
0x14: {  	_ =	swait.ge [sflag:s15], $0x500  }
0x15: {  	[sflag:s15] =	ssyncset.done $0x0  }
0x16: {  	[sflag:s15] =	ssyncadd.s32 $0xFFFFFB00  }
0x17: {  	[bflag:$0x0] =	sbarrier.arrive $0xFFFF  }
0x18: {  	[tilespmem:s3], [sflag:$0x3] =	stream.linear.gather [hbm4b:s7+s3], $0x1400, $0x38;
	[tilespmem:$0x4C00] =	vst v63  }
0x19: {  	_ =	swait.ge [sflag:s15], $0x1400  }
0x1a: {  	[sflag:s15] =	ssyncset.done $0x0  }
0x1b: {  	[sflag:s15] =	ssyncadd.s32 $0xFFFFEC00  }
0x1c: {  	[tilespmem:s16], [sflag:$0x1] =	stream.linear.gather [hbm4b:s5+s3], $0x800, $0x38;
	[tilespmem:$0x4C00] =	vst v63  }
0x1d: {  	_ = 	snop  }
0x1e: {  	[tilespmem:s17], [sflag:$0x2] =	stream.linear.gather [hbm4b:s8+s3], $0x800, $0x38;
	[tilespmem:$0x4C00] =	vst v63  }
0x1f: {  	p1 =	sgt.u32 s11, $0x270FF;
	_ =	swait.ge [sflag:s18], $0x800  }
0x20: {  	s20 =	sadd.s32 @p1 $0x0, s12;
	[sflag:s18] =	ssyncset.done $0x0  }
0x21: {  	s21 =	simm.s32 @p1 $0x0;
	s22 =	simm.s32 @p1 $0x1400;
	[sflag:s18] =	ssyncadd.s32 $0xFFFFF800  }
0x22: {  	[tilespmem:s22], [sflag:$0x1] =	stream.linear.gather @p1 [hbm4b:s20+s21], $0x800, $0x38;
	[tilespmem:$0x4C00] =	vst v63  }
0x23: {  	s20 =	simm.s32 @!p1 $0x80;
	s21 =	simm.s32 @!p1 $0x1400;
	s22 =	simm.s32 @!p1 $0x3  }
0x24: {  	[spmem:s2] =	stream.indirect.scatter.add.f32 @!p1 [tilespmem:s21], [sflag:$0x3], $0x10, s3, s20, $0xb8;
	[tilespmem:$0x4C00] =	vst v63  }
0x25: {  	_ =	swait.ge @!p1 [sflag:s22], $0x800  }
0x26: {  	s23 =	sadd.s32 @!p1 $0x0, s12;
	[sflag:s22] =	ssyncset.done @!p1 $0x0  }
0x27: {  	s24 =	simm.s32 @!p1 $0x0;
	s25 =	simm.s32 @!p1 $0x2;
	[sflag:s22] =	ssyncadd.s32 @!p1 $0xFFFFF800  }
0x28: {  	[tilespmem:s21], [sflag:$0x1] =	stream.linear.gather @!p1 [hbm4b:s23+s24], $0x800, $0x38;
	[tilespmem:$0x4C00] =	vst v63  }
0x29: {  	_ =	swait.ge @!p1 [sflag:s25], $0x800  }
0x2a: {  	s22 =	simm.s32 @p1 $0x2;
	[sflag:s25] =	ssyncset.done @!p1 $0x0  }
0x2b: {  	s21 =	simm.s32 @!p1 $0x1C00;
	s23 =	simm.s32 @!p1 $0x80;
	[sflag:s25] =	ssyncadd.s32 @!p1 $0xFFFFF800  }
0x2c: {  	[spmem:s2] =	stream.indirect.scatter.add.f32 @!p1 [tilespmem:s21], [sflag:$0x3], $0x10, s23, s20, $0xb8;
	[tilespmem:$0x4C00] =	vst v63  }
0x2d: {  	s24 =	sadd.s32 $0x0, s13;
	s20 =	simm.s32 $0x200;
	_ =	swait.ge [sflag:s22], $0x800  }
0x2e: {  	s21 =	sadd.s32 $0x100, s11;
	s23 =	simm.s32 $0x0;
	[sflag:s22] =	ssyncset.done $0x0  }
.LBB2_2:
0x2f: {  	[sflag:s22] =	ssyncadd.s32 $0xFFFFF800  }
0x30: {  	s23 =	sadd.s32 $0x100, s23;
	s25 =	smov.u32 s20;
	s20 =	sadd.s32 $0x200, s20  }
0x31: {  	[tilespmem:s17], [sflag:$0x2] =	stream.linear.gather [hbm4b:s24+s3], $0x800, $0x38;
	[tilespmem:$0x4C00] =	vst v63  }
0x32: {  	p2 =	sgt.u32 s21, $0x270FF;
	p1 =	sne.s32 s20, $0x2600;
	_ =	swait.ge [sflag:s18], $0x800  }
0x33: {  	s22 =	sadd.s32 @p2 s25, s12;
	s24 =	simm.s32 @p2 $0x0;
	[sflag:s18] =	ssyncset.done $0x0  }
0x34: {  	s26 =	simm.s32 @p2 $0x1400;
	s28 =	simm.s32 @!p2 $0x80;
	[sflag:s18] =	ssyncadd.s32 $0xFFFFF800  }
0x35: {  	[tilespmem:s26], [sflag:$0x1] =	stream.linear.gather @p2 [hbm4b:s22+s24], $0x800, $0x38;
	[tilespmem:$0x4C00] =	vst v63  }
0x36: {  	s24 =	simm.s32 @!p2 $0x1400;
	s22 =	simm.s32 @!p2 $0x3  }
0x37: {  	[spmem:s2] =	stream.indirect.scatter.add.f32 @!p2 [tilespmem:s24], [sflag:$0x3], $0x10, s23, s28, $0xb8;
	[tilespmem:$0x4C00] =	vst v63  }
0x38: {  	_ =	swait.ge @!p2 [sflag:s22], $0x800  }
0x39: {  	s29 =	simm.s32 @!p2 $0x0;
	s26 =	sadd.s32 @!p2 s25, s12;
	[sflag:s22] =	ssyncset.done @!p2 $0x0  }
0x3a: {  	s30 =	simm.s32 @!p2 $0x2;
	[sflag:s22] =	ssyncadd.s32 @!p2 $0xFFFFF800  }
0x3b: {  	[tilespmem:s24], [sflag:$0x1] =	stream.linear.gather @!p2 [hbm4b:s26+s29], $0x800, $0x38;
	[tilespmem:$0x4C00] =	vst v63  }
0x3c: {  	s24 =	simm.s32 @!p2 $0x1C00;
	_ =	swait.ge @!p2 [sflag:s30], $0x800  }
.Ltmp0:
0x3d: {  	s26 =	sadd.s32 @!p2 $0x80, s23;
	[sflag:s30] =	ssyncset.done @!p2 $0x0;
	(pc) =	sbr.rel @p1 .LBB2_2-.Ltmp0, $4  }
0x3e: {  	s22 =	simm.s32 @p2 $0x2;
	[sflag:s30] =	ssyncadd.s32 @!p2 $0xFFFFF800  }
0x3f: {  	[spmem:s2] =	stream.indirect.scatter.add.f32 @!p2 [tilespmem:s24], [sflag:$0x3], $0x10, s26, s28, $0xb8;
	[tilespmem:$0x4C00] =	vst v63  }
0x40: {  	_ =	swait.ge [sflag:s22], $0x800  }
0x41: {  	s21 =	sadd.s32 $0x100, s21;
	s24 =	sadd.s32 s25, s13;
	[sflag:s22] =	ssyncset.done $0x0  }
0x42: {  	[sflag:s22] =	ssyncadd.s32 $0xFFFFF800  }
0x43: {  	[tilespmem:s17], [sflag:$0x2] =	stream.linear.gather [hbm4b:s24+s3], $0x800, $0x38;
	[tilespmem:$0x4C00] =	vst v63  }
0x44: {  	_ =	swait.ge [sflag:s18], $0x800  }
0x45: {  	s20 =	simm.s32 @!p0 $0x80;
	[sflag:s18] =	ssyncset.done $0x0  }
0x46: {  	s21 =	simm.s32 @!p0 $0x1300;
	s22 =	simm.s32 @!p0 $0x1400;
	[sflag:s18] =	ssyncadd.s32 $0xFFFFF800  }
0x47: {  	[spmem:s2] =	stream.indirect.scatter.add.f32 @!p0 [tilespmem:s22], [sflag:$0x3], $0x10, s21, s20, $0xb8;
	[tilespmem:$0x4C00] =	vst v63  }
0x48: {  	s21 =	simm.s32 @!p0 $0x3  }
0x49: {  	_ =	swait.ge @!p0 [sflag:s21], $0x800  }
0x4a: {  	[sflag:s21] =	ssyncset.done @!p0 $0x0  }
0x4b: {  	s22 =	simm.s32 @!p0 $0x2;
	[sflag:s21] =	ssyncadd.s32 @!p0 $0xFFFFF800  }
0x4c: {  	_ =	swait.ge @!p0 [sflag:s22], $0x800  }
0x4d: {  	s23 =	simm.s32 @!p0 $0x1C00;
	[sflag:s22] =	ssyncset.done @!p0 $0x0  }
0x4e: {  	s21 =	simm.s32 @p0 $0x2;
	[sflag:s22] =	ssyncadd.s32 @!p0 $0xFFFFF800;
	s22 =	simm.s32 @!p0 $0x1380  }
0x4f: {  	[spmem:s2] =	stream.indirect.scatter.add.f32 @!p0 [tilespmem:s23], [sflag:$0x3], $0x10, s22, s20, $0xb8;
	[tilespmem:$0x4C00] =	vst v63  }
0x50: {  	_ =	swait.ge [sflag:s21], $0x800  }
0x51: {  	s19 =	sadd.s32 $0x1, s19;
	[sflag:s21] =	ssyncset.done $0x0  }
0x52: {  	p1 =	sne.s32 s19, s10;
	[sflag:s21] =	ssyncadd.s32 $0xFFFFF800  }
.Ltmp1:
0x53: {  	[bflag:$0x0] =	sbarrier.arrive $0xFFFF;
	(pc) =	sbr.rel @p1 .LBB2_1-.Ltmp1, $4  }
0x54: {  	[hbm:s9], [sflag:s6] =	dma.local [spmem:s14], $0x500  }
0x55: {  	_ =	swait.ge [sflag:s15], $0x500  }
0x56: {  	[sflag:s15] =	ssyncset.done $0x0  }
0x57: {  	[sflag:s15] =	ssyncadd.s32 $0xFFFFFB00  }
0x58: {  	_ =	sfence.sel $0x180000  }
0x59: {  	[bflag:$0x0] =	sbarrier.arrive $0xFFFF  }
0x5a: {  	p0 =	sne.s32 s0, $0x0;
	_ =	strace $0x9000004A  }
0x5b: {  	s0 =	sadd.s32 @!p0 $0x100000, s1;
	[bflag:$0x2] =	sbarrier.arrive $0xFFFF  }
0x5c: {  	[sflag:s0] =	ssyncadd.tile.s32 @!p0 $0x1;
	_ =	shalt  }
.Lfunc_end2:
_tile_overlayer_lowered:
.L_overlay_start_2:
0x5d: {  	(tag) =	ssettag $0x2  }
0x5e: {  	s0 =	rddreg [dreg:$0x0];
	s2 =	stileid.u32  }
0x5f: {  	s1 =	rddreg [dreg:$0x1];
	p0 =	sne.s32 s2, $0x0  }
0x60: {  	s3 =	rddreg [dreg:$0x2];
	[bflag:$0x3] =	sbarrier.arrive $0xFFFF;
	s2 =	simm.s32 @!p0 $0x1C03  }
0x61: {  	[timem:s3], [sflag:s2] =	dma.local @!p0 [hbm:s0], s1  }
0x62: {  	s0 =	simm.s32 @!p0 $0x3  }
0x63: {  	_ =	swait.ge @!p0 [sflag:s0], s1  }
0x64: {  	s1 =	ssub.s32 @!p0 $0x0, s1;
	[sflag:s0] =	ssyncset.done @!p0 $0x0  }
0x65: {  	[sflag:s0] =	ssyncadd.s32 @!p0 s1  }
0x66: {  	[bflag:$0x3] =	sbarrier.arrive $0xFFFF  }
0x67: {  	_ =	shalt  }

// kernel: kernel.7.cloned.1.call-start
scs
__scs_entry_jumppad:
0x0: {  	(pc) =	sbr.rel $0x88, $3  }
0x1: {  	(tag) =	ssettag $0x0;
	lr =	simm.s32 $0x1  }
0x2: {  	[smem:$0x3F96] =	sst lr;
	_ =	strace $0xD0000000  }
0x3: {  	_ = 	snop  }
0x4: {  	_ = 	snop  }
0x5: {  	_ = 	snop  }
0x6: {  	_ = 	snop  }
0x7: {  	_ = 	snop  }
__scs_overlays_trampoline_lowered:
0x8: {  	[smem:$0x3FA5] =	sst s0  }
0x9: {  	[smem:$0x3FA6] =	sst s1  }
0xa: {  	[smem:$0x3FA7] =	sst s2  }
0xb: {  	[smem:$0x3FA8] =	sst s3  }
0xc: {  	[smem:$0x3FA9] =	sst s4  }
0xd: {  	[smem:$0x3FAA] =	sst s5  }
0xe: {  	[smem:$0x3FAB] =	sst s6  }
0xf: {  	[smem:$0x3FAC] =	sst s7  }
0x10: {  	[smem:$0x3FAD] =	sst s8  }
0x11: {  	[smem:$0x3FAE] =	sst s9;
	s0 =	simm.s32 @!p0 $0x0  }
0x12: {  	s1 =	sld [smem:$0x3F94];
	s0 =	simm.s32 @p0 $0x1  }
0x13: {  	[smem:$0x3FAF] =	sst s0;
	s0 =	simm.s32 @!p1 $0x0  }
0x14: {  	s2 =	sld [smem:$0x3F93];
	s0 =	simm.s32 @p1 $0x1  }
0x15: {  	[smem:$0x3FB0] =	sst s0;
	s0 =	simm.s32 @!p2 $0x0  }
0x16: {  	s3 =	sld [smem:$0x3FDB];
	s0 =	simm.s32 @p2 $0x1  }
0x17: {  	s4 =	simm.s32 $0x1BF5;
	[smem:$0x3FB2] =	sst s0  }
0x18: {  	s0 =	sld [smem:$0x3F95];
	_ =	swait.ge [sflag:s4], $0x0  }
0x19: {  	s7 =	sld [smem:$0x3F96]  }
0x1a: {  	s8 =	sadd.s32 $0xFFFFE003, lr  }
0x1b: {  	s9 =	sadd.s32 $0xFFFFFEF7, lr;
	s5 =	simm.s32 $0xFFFFFFFF;
	p2 =	slt.u32 s8, $0xFFFFF086  }
0x1c: {  	p1 =	slt.u32 s9, $0xF7A;
	s5 =	simm.s32 @!p2 $0x0  }
0x1d: {  	s5 =	simm.s32 @p1 $0x1;
	p0 =	seq.s32 s7, s2  }
0x1e: {  	s7 =	smul.u32 @!p0 $0xF7A, s2;
	p2 =	seq.s32 @!p0 s5, $0x0  }
0x1f: {  	s9 =	smul.u32 $0xF7A, s1;
	s8 =	simm.s32 @!p0 $0x1BF5;
	p2 =	por !p2, p0  }
0x20: {  	[sflag:s8] =	ssyncset.s32 @!p0 $0xFFFFF086;
	s6 =	sadd.s32 @!p0 s3, s7;
	s7 =	simm.s32 @!p0 $0x108  }
0x21: {  	s3 =	sadd.s32 s3, s9;
	s6 =	sadd.s32 @!p0 $0x88, s6;
	s7 =	simm.s32 @p2 $0x1082  }
0x22: {  	[simem:s7], [sflag:s8] =	dma.local @!p0 [hbm:s6], $0xF7A  }
0x23: {  	s9 =	sor.u32 $0xD0000000, s2;
	s6 =	simm.s32 $0x108;
	_ =	swait.ge @!p0 [sflag:s8], $0x0  }
0x24: {  	s3 =	sadd.s32 $0x88, s3;
	s6 =	simm.s32 @!p1 $0x1082;
	[sflag:s4] =	ssyncset.s32 $0xFFFFF086  }
0x25: {  	[simem:s6], [sflag:s4] =	dma.local [hbm:s3], $0xF7A  }
0x26: {  	[smem:$0x3F96] =	sst s1;
	(tag) =	ssettag s2;
	_ =	strace s9  }
0x27: {  	s1 =	sld [smem:$0x3FA6]  }
0x28: {  	s2 =	sld [smem:$0x3FA7]  }
0x29: {  	s4 =	sld [smem:$0x3FA9]  }
0x2a: {  	p0 =	seq.s32 s5, $0x0;
	s5 =	sld [smem:$0x3FAA]  }
0x2b: {  	s6 =	sld [smem:$0x3FAB]  }
0x2c: {  	s7 =	sld [smem:$0x3FAC]  }
0x2d: {  	s3 =	simm.s32 $0x108;
	s8 =	sld [smem:$0x3FAD]  }
0x2e: {  	s3 =	simm.s32 @!p0 $0x1082;
	s9 =	sld [smem:$0x3FAE]  }
0x2f: {  	lr =	sadd.s32 s0, s3;
	s0 =	sld [smem:$0x3FA5]  }
0x30: {  	s3 =	sld [smem:$0x3FA8]  }
0x31: {  	[smem:$0x3FB1] =	sst s10  }
0x32: {  	s10 =	sld [smem:$0x3FAF];
	_ =	sdelay $0x3  }
0x33: {  	p0 =	seq.s32 s10, $0x1;
	s10 =	sld [smem:$0x3FB1];
	_ =	sdelay $0x3  }
0x34: {  	[smem:$0x3FB1] =	sst s10  }
0x35: {  	s10 =	sld [smem:$0x3FB0];
	_ =	sdelay $0x3  }
0x36: {  	p1 =	seq.s32 s10, $0x1;
	s10 =	sld [smem:$0x3FB1];
	_ =	sdelay $0x3  }
0x37: {  	[smem:$0x3FB1] =	sst s10  }
0x38: {  	s10 =	sld [smem:$0x3FB2]  }
0x39: {  	_ = 	snop;
	(pc) =	sbr.ind lr, $3  }
0x3a: {  	_ = 	snop  }
0x3b: {  	_ = 	snop  }
0x3c: {  	p2 =	seq.s32 s10, $0x1;
	s10 =	sld [smem:$0x3FB1]  }
0x3d: {  	_ =	shalt  }
0x3e: {  	_ =	shalt  }
0x3f: {  	_ =	shalt  }
0x40: {  	_ =	shalt  }
0x41: {  	_ =	shalt  }
0x42: {  	_ =	shalt  }
0x43: {  	_ =	shalt  }
0x44: {  	_ =	shalt  }
0x45: {  	_ =	shalt  }
0x46: {  	_ =	shalt  }
0x47: {  	_ =	shalt  }
0x48: {  	_ =	shalt  }
0x49: {  	_ =	shalt  }
0x4a: {  	_ =	shalt  }
0x4b: {  	_ =	shalt  }
0x4c: {  	_ =	shalt  }
0x4d: {  	_ =	shalt  }
0x4e: {  	_ =	shalt  }
0x4f: {  	_ =	shalt  }
0x50: {  	_ =	shalt  }
0x51: {  	_ =	shalt  }
0x52: {  	_ =	shalt  }
0x53: {  	_ =	shalt  }
0x54: {  	_ =	shalt  }
0x55: {  	_ =	shalt  }
0x56: {  	_ =	shalt  }
0x57: {  	_ =	shalt  }
0x58: {  	_ =	shalt  }
0x59: {  	_ =	shalt  }
0x5a: {  	_ =	shalt  }
0x5b: {  	_ =	shalt  }
0x5c: {  	_ =	shalt  }
0x5d: {  	_ =	shalt  }
0x5e: {  	_ =	shalt  }
0x5f: {  	_ =	shalt  }
0x60: {  	_ =	shalt  }
0x61: {  	_ =	shalt  }
0x62: {  	_ =	shalt  }
0x63: {  	_ =	shalt  }
0x64: {  	_ =	shalt  }
0x65: {  	_ =	shalt  }
0x66: {  	_ =	shalt  }
0x67: {  	_ =	shalt  }
0x68: {  	_ =	shalt  }
0x69: {  	_ =	shalt  }
0x6a: {  	_ =	shalt  }
0x6b: {  	_ =	shalt  }
0x6c: {  	_ =	shalt  }
0x6d: {  	_ =	shalt  }
0x6e: {  	_ =	shalt  }
0x6f: {  	_ =	shalt  }
0x70: {  	_ =	shalt  }
0x71: {  	_ =	shalt  }
0x72: {  	_ =	shalt  }
0x73: {  	_ =	shalt  }
0x74: {  	_ =	shalt  }
0x75: {  	_ =	shalt  }
0x76: {  	_ =	shalt  }
0x77: {  	_ =	shalt  }
0x78: {  	_ =	shalt  }
0x79: {  	_ =	shalt  }
0x7a: {  	_ =	shalt  }
0x7b: {  	_ =	shalt  }
0x7c: {  	_ =	shalt  }
0x7d: {  	_ =	shalt  }
0x7e: {  	_ =	shalt  }
0x7f: {  	_ =	shalt  }
0x80: {  	_ =	shalt  }
0x81: {  	_ =	shalt  }
0x82: {  	_ =	shalt  }
0x83: {  	_ =	shalt  }
0x84: {  	_ =	shalt  }
0x85: {  	_ =	shalt  }
0x86: {  	_ =	shalt  }
0x87: {  	_ =	shalt  }
.Lfunc_end0:
.L_simem_size_0:
called_computation_lowered:
.L_overlay_start_0:
0x88: {  	s2 =	sld [smem:$0x3FD9]  }
0x89: {  	s3 =	sld [smem:$0x3FFE];
	_ =	sdelay $0x1  }
0x8a: {  	s1 =	srdreg.scid  }
0x8b: {  	s0 =	sand.u32 $0x1, s1  }
0x8c: {  	s17 =	sshll.u32 s0, $0xA;
	s2 =	sadd.s32 s3, s2  }
0x8d: {  	s2 =	sadd.s32 s2, s17  }
0x8e: {  	[smem:$0x3FBD] =	sst s2  }
0x8f: {  	_ = 	snop  }
0x90: {  	s2 =	sld [smem:$0x3FC9];
	(tm) =	ssettm $0x1  }
0x91: {  	s18 =	sld [smem:$0x3FFB];
	_ =	sdelay $0x3  }
0x92: {  	_ =	strace s18  }
0x93: {  	s3 =	sld [smem:$0x3FFC];
	_ =	sdelay $0x3  }
0x94: {  	_ =	strace s3  }
0x95: {  	s3 =	sld [smem:$0x3FFD];
	_ =	sdelay $0x3  }
0x96: {  	_ =	strace s3  }
0x97: {  	_ =	strace $0x8FFFFFFF  }
0x98: {  	s19 =	sld [smem:$0x3FDB];
	_ =	sdelay $0x1  }
0x99: {  	s4 =	simm.s32 $_scs_section_size  }
0x9a: {  	s5 =	simm.s32 $_size__tile_overlayer_lowered;
	s6 =	simm.s32 $_tile_overlayer_lowered  }
0x9b: {  	s22 =	simm.s32 $0x1BFF;
	s21 =	sshll.u32 s6, $0x1;
	s3 =	sadd.s32 s4, s19  }
0x9c: {  	s7 =	simm.s32 $0x0;
	s20 =	sshll.u32 s5, $0x1;
	s5 =	sadd.s32 s21, s3  }
0x9d: {  	[timem:s7], [sflag:s22] =	dma.local [hbm:s5], s20  }
0x9e: {  	_ =	swait.ge [sflag:s22], s20  }
0x9f: {  	s4 =	ssub.s32 $0x0, s20;
	[sflag:s22] =	ssyncset.done $0x0  }
0xa0: {  	[sflag:s22] =	ssyncadd.s32 s4;
	_ =	sdelay $0x1  }
0xa1: {  	s23 =	simm.s32 $0x1B8B  }
0xa2: {  	_ =	swait.ge [sflag:s23], $0x1  }
0xa3: {  	[sflag:s23] =	ssyncset.done $0x0  }
0xa4: {  	s25 =	simm.s32 $0x1B8E;
	s24 =	sld [smem:$0x3FFE];
	[sflag:s23] =	ssyncadd.s32 $0xFFFFFFFF  }
0xa5: {  	s26 =	simm.s32 $execute0_lowered;
	[smem:$0x3FD2] =	sst s25  }
0xa6: {  	s5 =	sshll.u32 s26, $0x1;
	_ =	strace $0x80000046;
	[dreg:$0x1] =	wrdreg $0xFFFFFFFF  }
0xa7: {  	s28 =	simm.s32 $_size_execute0_lowered;
	s3 =	sadd.s32 s3, s5;
	[dreg:$0x0] =	wrdreg $0x0  }
0xa8: {  	s5 =	sshll.u32 s28, $0x1;
	[dreg:$0x2] =	wrdreg s3  }
0xa9: {  	[dreg:$0x3] =	wrdreg s5  }
0xaa: {  	[dreg:$0x4] =	wrdreg $0xC0  }
0xab: {  	_ =	task [dreg:s7], $0x5FFFF  }
0xac: {  	[dreg:$0x1] =	wrdreg $0xFFFFFFFF  }
0xad: {  	[dreg:$0x0] =	wrdreg $0x60  }
0xae: {  	[dreg:$0x2] =	wrdreg s2  }
0xaf: {  	[dreg:$0x3] =	wrdreg s24  }
0xb0: {  	[dreg:$0x4] =	wrdreg $0x9  }
0xb1: {  	_ =	task.clear_ibuf [dreg:s7], $0x5FFFF;
	_ =	strace $0x90000046  }
0xb2: {  	s29 =	simm.s32 $0x9;
	_ =	strace $0x80000048  }
0xb3: {  	_ =	swait.ge [sflag:s29], $0x1  }
0xb4: {  	[sflag:s29] =	ssyncadd.s32 $0xFFFFFFFF  }
0xb5: {  	_ =	strace $0x90000048  }
0xb6: {  	_ =	sfence  }
0xb7: {  	s30 =	sld [smem:$0x0];
	_ =	sdelay $0x2  }
0xb8: {  	s31 =	sshll.u32 s1, $0xD;
	s1 =	sshrl.u32 s1, $0x2  }
0xb9: {  	s3 =	sand.u32 $0x4000, s31;
	s1 =	sadd.s32 s1, s30  }
0xba: {  	s0 =	sor.u32 s3, s0;
	s1 =	sshll.u32 s1, $0x11  }
0xbb: {  	s0 =	sor.u32 s1, s0  }
0xbc: {  	s0 =	sadd.s32 $0x8F2B, s0  }
0xbd: {  	[sflag:s0] =	ssyncadd.remote.s32 $0x1  }
0xbe: {  	_ =	sfence.sel $0xFFFF  }
0xbf: {  	[dreg:$0x0] =	wrdreg $0xFFFFFFFF;
	(pc) =	sbr.abs _section_cstart, $3  }
0xc0: {  	[dreg:$0x1] =	wrdreg $0xFFFFFFFF  }
0xc1: {  	_ =	task.clear_ibuf [dreg:s7], $0x2FFFF;
	_ =	strace $0x9FFFFFFF  }
0xc2: {  	(tm) =	ssettm $0x7FFFFFFF  }
0xc3: {  	_ =	shalt  }
tec
execute0_lowered:
.L_overlay_start_1:
0x0: {  	(tag) =	ssettag $0x1  }
0x1: {  	s1 =	srdreg.scid  }
0x2: {  	s0 =	stileid.u32;
	s2 =	rddreg [dreg:$0x0]  }
0x3: {  	s4 =	rddreg [dreg:$0x1];
	s3 =	simm.s32 $0x0;
	s15 =	simm.s32 $0x5400  }
0x4: {  	s16 =	simm.s32 $0x100;
	s17 =	simm.s32 $0x9400;
	s18 =	simm.s32 $0x180  }
0x5: {  	s19 =	simm.s32 $0xD400;
	s20 =	simm.s32 $0x1;
	s21 =	simm.s32 $0x2  }
0x6: {  	s22 =	simm.s32 $0x3;
	s23 =	simm.s32 $0x4;
	s11 =	smul.u32 $0x140000, s0  }
0x7: {  	s24 =	simm.s32 $0x0;
	s9 =	sand.u32 $0x1, s1;
	s14 =	smul.u32 $0x28000, s0  }
0x8: {  	s25 =	sshll.u32 s0, $0x1;
	s1 =	rddreg [dreg:$0x2];
	s13 =	smul.u32 $0xA0000, s9  }
0x9: {  	[smem:$0x7FF] =	sst s3;
	s5 =	sor.u32 s9, s25;
	s30 =	smul.u32 $0x14000, s9  }
0xa: {  	s10 =	sadd.s32 $0x7600, s4;
	s7 =	ssub.s32 $0x2, s9;
	s6 =	smul.u32 $0x1400, s5  }
0xb: {  	_ =	strace $0x80000047;
	s26 =	sshrl.u32 s7, $0x1;
	s8 =	smul.u32 $0xA0000, s5  }
0xc: {  	s28 =	smul.u32 $0x14000, s5;
	s31 =	sadd.s32 s14, s10;
	s14 =	simm.s32 $0x1400  }
0xd: {  	s7 =	ssub.s32 s7, s26;
	s11 =	sadd.s32 s13, s11;
	s13 =	simm.s32 $0x80  }
0xe: {  	s6 =	sshrl.u32 s6, $0x3;
	s5 =	smax.u32 s7, $0x1;
	s29 =	sshrl.u32 s8, $0x3  }
0xf: {  	s12 =	sadd.s32 s10, s28;
	s11 =	sshrl.u32 s11, $0x3;
	s6 =	sadd.s32 s6, s4  }
0x10: {  	s7 =	sadd.s32 s10, s29;
	s8 =	sadd.s32 $0x13000, s12;
	s9 =	sadd.s32 $0x13800, s12  }
0x11: {  	s10 =	sadd.s32 s11, s10;
	s11 =	sadd.s32 s30, s31;
	s4 =	sadd.s32 $0x2600, s6  }
0x12: {  	s6 =	sadd.s32 $0x12000, s7;
	s7 =	sadd.s32 $0x12800, s12;
	s12 =	simm.s32 $0x5  }
.LBB2_1:
0x13: {  	[tilespmem:s3], [sflag:$0x5] =	stream.linear.gather [hbm4b:s4+s3], $0x1400, $0x38;
	[tilespmem:$0x11400] =	vst v63  }
0x14: {  	_ =	swait.ge [sflag:s12], $0x1400  }
0x15: {  	[sflag:s12] =	ssyncset.done $0x0  }
0x16: {  	[sflag:s12] =	ssyncadd.s32 $0xFFFFEC00  }
0x17: {  	[tilespmem:s14], [sflag:$0x1] =	stream.indirect.gather [hbm4b:s2+s13], $0x80, s3, s13, $0xb8;
	[tilespmem:$0x11400] =	vst v63  }
0x18: {  	_ = 	snop  }
0x19: {  	[tilespmem:s15], [sflag:$0x2] =	stream.indirect.gather [hbm4b:s2+s13], $0x80, s13, s13, $0xb8;
	[tilespmem:$0x11400] =	vst v63  }
0x1a: {  	_ = 	snop  }
0x1b: {  	[tilespmem:s17], [sflag:$0x3] =	stream.indirect.gather [hbm4b:s2+s13], $0x80, s16, s13, $0xb8;
	[tilespmem:$0x11400] =	vst v63  }
0x1c: {  	_ = 	snop  }
0x1d: {  	[tilespmem:s19], [sflag:$0x4] =	stream.indirect.gather [hbm4b:s2+s13], $0x80, s18, s13, $0xb8;
	[tilespmem:$0x11400] =	vst v63  }
0x1e: {  	_ =	swait.ge [sflag:s20], $0x4000  }
0x1f: {  	[sflag:s20] =	ssyncset.done $0x0  }
0x20: {  	s25 =	sadd.s32 $0x0, s10;
	[sflag:s20] =	ssyncadd.s32 $0xFFFFC000  }
0x21: {  	[hbm4b:s25+s3] =	stream.linear.scatter [tilespmem:s14], [sflag:$0x5], $0x4000, $0x38;
	[tilespmem:$0x11400] =	vst v63  }
0x22: {  	_ =	swait.ge [sflag:s12], $0x4000  }
0x23: {  	[sflag:s12] =	ssyncset.done $0x0  }
0x24: {  	s26 =	simm.s32 $0x200;
	[sflag:s12] =	ssyncadd.s32 $0xFFFFC000  }
0x25: {  	[tilespmem:s14], [sflag:$0x1] =	stream.indirect.gather [hbm4b:s2+s13], $0x80, s26, s13, $0xb8;
	[tilespmem:$0x11400] =	vst v63  }
0x26: {  	_ =	swait.ge [sflag:s21], $0x4000  }
0x27: {  	s25 =	sadd.s32 $0x0, s11;
	[sflag:s21] =	ssyncset.done $0x0  }
0x28: {  	s26 =	sadd.s32 $0x800, s25;
	[sflag:s21] =	ssyncadd.s32 $0xFFFFC000  }
0x29: {  	[hbm4b:s26+s3] =	stream.linear.scatter [tilespmem:s15], [sflag:$0x5], $0x4000, $0x38;
	[tilespmem:$0x11400] =	vst v63  }
0x2a: {  	_ =	swait.ge [sflag:s12], $0x4000  }
0x2b: {  	[sflag:s12] =	ssyncset.done $0x0  }
0x2c: {  	s29 =	simm.s32 $0x280;
	[sflag:s12] =	ssyncadd.s32 $0xFFFFC000  }
0x2d: {  	[tilespmem:s15], [sflag:$0x2] =	stream.indirect.gather [hbm4b:s2+s13], $0x80, s29, s13, $0xb8;
	[tilespmem:$0x11400] =	vst v63  }
0x2e: {  	_ =	swait.ge [sflag:s22], $0x4000  }
0x2f: {  	[sflag:s22] =	ssyncset.done $0x0  }
0x30: {  	s30 =	sadd.s32 $0x1000, s25;
	[sflag:s22] =	ssyncadd.s32 $0xFFFFC000  }
0x31: {  	[hbm4b:s30+s3] =	stream.linear.scatter [tilespmem:s17], [sflag:$0x5], $0x4000, $0x38;
	[tilespmem:$0x11400] =	vst v63  }
0x32: {  	_ =	swait.ge [sflag:s12], $0x4000  }
0x33: {  	[sflag:s12] =	ssyncset.done $0x0  }
0x34: {  	s31 =	simm.s32 $0x300;
	[sflag:s12] =	ssyncadd.s32 $0xFFFFC000  }
0x35: {  	[tilespmem:s17], [sflag:$0x3] =	stream.indirect.gather [hbm4b:s2+s13], $0x80, s31, s13, $0xb8;
	[tilespmem:$0x11400] =	vst v63  }
0x36: {  	_ =	swait.ge [sflag:s23], $0x4000  }
0x37: {  	[sflag:s23] =	ssyncset.done $0x0  }
0x38: {  	s25 =	sadd.s32 $0x1800, s25;
	[sflag:s23] =	ssyncadd.s32 $0xFFFFC000  }
0x39: {  	[hbm4b:s25+s3] =	stream.linear.scatter [tilespmem:s19], [sflag:$0x5], $0x4000, $0x38;
	[tilespmem:$0x11400] =	vst v63  }
0x3a: {  	_ =	swait.ge [sflag:s12], $0x4000  }
0x3b: {  	s28 =	simm.s32 $0x580;
	[sflag:s12] =	ssyncset.done $0x0  }
0x3c: {  	s26 =	simm.s32 $0x2000;
	s25 =	simm.s32 $0x380;
	[sflag:s12] =	ssyncadd.s32 $0xFFFFC000  }
.LBB2_2:
0x3d: {  	[tilespmem:s19], [sflag:$0x4] =	stream.indirect.gather [hbm4b:s2+s13], $0x80, s25, s13, $0xb8;
	[tilespmem:$0x11400] =	vst v63  }
0x3e: {  	s29 =	smov.u32 s26;
	s25 =	smov.u32 s28  }
0x3f: {  	p0 =	sne.s32 s26, $0x10000;
	s26 =	sadd.s32 $0x2000, s26;
	_ =	swait.ge [sflag:s20], $0x4000  }
0x40: {  	[sflag:s20] =	ssyncset.done $0x0  }
0x41: {  	s30 =	sadd.s32 s29, s10;
	[sflag:s20] =	ssyncadd.s32 $0xFFFFC000  }
0x42: {  	[hbm4b:s30+s3] =	stream.linear.scatter [tilespmem:s14], [sflag:$0x5], $0x4000, $0x38;
	[tilespmem:$0x11400] =	vst v63  }
0x43: {  	_ =	swait.ge [sflag:s12], $0x4000  }
0x44: {  	[sflag:s12] =	ssyncset.done $0x0  }
0x45: {  	s30 =	sadd.s32 $0xFFFFFE80, s28;
	[sflag:s12] =	ssyncadd.s32 $0xFFFFC000  }
0x46: {  	[tilespmem:s14], [sflag:$0x1] =	stream.indirect.gather [hbm4b:s2+s13], $0x80, s30, s13, $0xb8;
	[tilespmem:$0x11400] =	vst v63  }
0x47: {  	_ =	swait.ge [sflag:s21], $0x4000  }
0x48: {  	s29 =	sadd.s32 s29, s11;
	[sflag:s21] =	ssyncset.done $0x0  }
0x49: {  	s30 =	sadd.s32 $0x800, s29;
	[sflag:s21] =	ssyncadd.s32 $0xFFFFC000  }
0x4a: {  	[hbm4b:s30+s3] =	stream.linear.scatter [tilespmem:s15], [sflag:$0x5], $0x4000, $0x38;
	[tilespmem:$0x11400] =	vst v63  }
0x4b: {  	_ =	swait.ge [sflag:s12], $0x4000  }
0x4c: {  	[sflag:s12] =	ssyncset.done $0x0  }
0x4d: {  	s30 =	sadd.s32 $0xFFFFFF00, s28;
	[sflag:s12] =	ssyncadd.s32 $0xFFFFC000  }
0x4e: {  	[tilespmem:s15], [sflag:$0x2] =	stream.indirect.gather [hbm4b:s2+s13], $0x80, s30, s13, $0xb8;
	[tilespmem:$0x11400] =	vst v63  }
0x4f: {  	_ =	swait.ge [sflag:s22], $0x4000  }
0x50: {  	[sflag:s22] =	ssyncset.done $0x0  }
0x51: {  	s30 =	sadd.s32 $0x1000, s29;
	[sflag:s22] =	ssyncadd.s32 $0xFFFFC000  }
0x52: {  	[hbm4b:s30+s3] =	stream.linear.scatter [tilespmem:s17], [sflag:$0x5], $0x4000, $0x38;
	[tilespmem:$0x11400] =	vst v63  }
0x53: {  	_ =	swait.ge [sflag:s12], $0x4000  }
0x54: {  	[sflag:s12] =	ssyncset.done $0x0  }
0x55: {  	s30 =	sadd.s32 $0xFFFFFF80, s28;
	[sflag:s12] =	ssyncadd.s32 $0xFFFFC000  }
0x56: {  	[tilespmem:s17], [sflag:$0x3] =	stream.indirect.gather [hbm4b:s2+s13], $0x80, s30, s13, $0xb8;
	[tilespmem:$0x11400] =	vst v63  }
0x57: {  	_ =	swait.ge [sflag:s23], $0x4000  }
0x58: {  	[sflag:s23] =	ssyncset.done $0x0  }
.Ltmp0:
0x59: {  	s29 =	sadd.s32 $0x1800, s29;
	[sflag:s23] =	ssyncadd.s32 $0xFFFFC000;
	(pc) =	sbr.rel @p0 .LBB2_2-.Ltmp0, $4  }
0x5a: {  	[hbm4b:s29+s3] =	stream.linear.scatter [tilespmem:s19], [sflag:$0x5], $0x4000, $0x38;
	[tilespmem:$0x11400] =	vst v63  }
0x5b: {  	_ =	swait.ge [sflag:s12], $0x4000  }
0x5c: {  	[sflag:s12] =	ssyncset.done $0x0  }
0x5d: {  	s28 =	sadd.s32 $0x200, s28;
	[sflag:s12] =	ssyncadd.s32 $0xFFFFC000  }
0x5e: {  	[tilespmem:s19], [sflag:$0x4] =	stream.indirect.gather [hbm4b:s2+s13], $0x80, s25, s13, $0xb8;
	[tilespmem:$0x11400] =	vst v63  }
0x5f: {  	_ =	swait.ge [sflag:s20], $0x4000  }
0x60: {  	[sflag:s20] =	ssyncset.done $0x0  }
0x61: {  	[sflag:s20] =	ssyncadd.s32 $0xFFFFC000  }
0x62: {  	[hbm4b:s6+s3] =	stream.linear.scatter [tilespmem:s14], [sflag:$0x5], $0x4000, $0x38;
	[tilespmem:$0x11400] =	vst v63  }
0x63: {  	_ =	swait.ge [sflag:s12], $0x4000  }
0x64: {  	[sflag:s12] =	ssyncset.done $0x0  }
0x65: {  	[sflag:s12] =	ssyncadd.s32 $0xFFFFC000  }
0x66: {  	_ =	swait.ge [sflag:s21], $0x4000  }
0x67: {  	[sflag:s21] =	ssyncset.done $0x0  }
0x68: {  	[sflag:s21] =	ssyncadd.s32 $0xFFFFC000  }
0x69: {  	[hbm4b:s7+s3] =	stream.linear.scatter [tilespmem:s15], [sflag:$0x5], $0x4000, $0x38;
	[tilespmem:$0x11400] =	vst v63  }
0x6a: {  	_ =	swait.ge [sflag:s12], $0x4000  }
0x6b: {  	[sflag:s12] =	ssyncset.done $0x0  }
0x6c: {  	[sflag:s12] =	ssyncadd.s32 $0xFFFFC000  }
0x6d: {  	_ =	swait.ge [sflag:s22], $0x4000  }
0x6e: {  	[sflag:s22] =	ssyncset.done $0x0  }
0x6f: {  	[sflag:s22] =	ssyncadd.s32 $0xFFFFC000  }
0x70: {  	[hbm4b:s8+s3] =	stream.linear.scatter [tilespmem:s17], [sflag:$0x5], $0x4000, $0x38;
	[tilespmem:$0x11400] =	vst v63  }
0x71: {  	_ =	swait.ge [sflag:s12], $0x4000  }
0x72: {  	[sflag:s12] =	ssyncset.done $0x0  }
0x73: {  	[sflag:s12] =	ssyncadd.s32 $0xFFFFC000  }
0x74: {  	s24 =	sadd.s32 $0x1, s24;
	_ =	swait.ge [sflag:s23], $0x4000  }
0x75: {  	p0 =	sne.s32 s24, s5;
	[sflag:s23] =	ssyncset.done $0x0  }
.Ltmp1:
0x76: {  	[sflag:s23] =	ssyncadd.s32 $0xFFFFC000;
	(pc) =	sbr.rel @p0 .LBB2_1-.Ltmp1, $4  }
0x77: {  	[hbm4b:s9+s3] =	stream.linear.scatter [tilespmem:s19], [sflag:$0x5], $0x4000, $0x38;
	[tilespmem:$0x11400] =	vst v63  }
0x78: {  	_ =	swait.ge [sflag:s12], $0x4000  }
0x79: {  	[sflag:s12] =	ssyncset.done $0x0  }
0x7a: {  	[sflag:s12] =	ssyncadd.s32 $0xFFFFC000  }
0x7b: {  	_ =	sfence.sel $0x180000  }
0x7c: {  	[bflag:$0x0] =	sbarrier.arrive $0xFFFF  }
0x7d: {  	p0 =	sne.s32 s0, $0x0;
	_ =	strace $0x90000047  }
0x7e: {  	s0 =	sadd.s32 @!p0 $0x100000, s1;
	[bflag:$0x2] =	sbarrier.arrive $0xFFFF  }
0x7f: {  	[sflag:s0] =	ssyncadd.tile.s32 @!p0 $0x1;
	_ =	shalt  }
.Lfunc_end2:
_tile_overlayer_lowered:
.L_overlay_start_2:
0x80: {  	(tag) =	ssettag $0x2  }
0x81: {  	s0 =	rddreg [dreg:$0x0];
	s2 =	stileid.u32  }
0x82: {  	s1 =	rddreg [dreg:$0x1];
	p0 =	sne.s32 s2, $0x0  }
0x83: {  	s3 =	rddreg [dreg:$0x2];
	[bflag:$0x3] =	sbarrier.arrive $0xFFFF;
	s2 =	simm.s32 @!p0 $0x1C05  }
0x84: {  	[timem:s3], [sflag:s2] =	dma.local @!p0 [hbm:s0], s1  }
0x85: {  	s0 =	simm.s32 @!p0 $0x5  }
0x86: {  	_ =	swait.ge @!p0 [sflag:s0], s1  }
0x87: {  	s1 =	ssub.s32 @!p0 $0x0, s1;
	[sflag:s0] =	ssyncset.done @!p0 $0x0  }
0x88: {  	[sflag:s0] =	ssyncadd.s32 @!p0 s1  }
0x89: {  	[bflag:$0x3] =	sbarrier.arrive $0xFFFF  }
0x8a: {  	_ =	shalt  }

</sc_bundles>
